<compile_context>
chip_gen: v7x
topology: tpu7x:2x2x1
jax: 0.10.2.dev20260603
libtpu: 0.0.44.dev20260713+nightly
codegen_flags: <defaults>
</compile_context>

<pallas_src>
import functools

import jax
import jax.numpy as jnp
from jax import lax
from jax.experimental import pallas as pl
from jax.experimental.pallas import tpu as pltpu
from jax.experimental.pallas import tpu_sc as plsc

B, T, D = 64, 576, 768
E, R = 8, 192
SPP = 4
_CHUNKS = B // 16


def _fused_kernel(tok_ref, gw_ref, gb_ref, wd_ref, bd_ref, wu_ref, bu_ref,
                  out_ref, logits_ref, imp_ref, load_ref):
    g = pl.program_id(0)
    lane = jax.lax.broadcasted_iota(jnp.int32, (1, E), 1)
    imp_acc = jnp.zeros((1, E), jnp.float32)
    load_acc = jnp.zeros((1, E), jnp.float32)
    for i in range(SPP):
        x = tok_ref[i]

        pooled = jnp.mean(x, axis=0, keepdims=True)
        logits = jnp.dot(pooled, gw_ref[...],
                         preferred_element_type=jnp.float32) + gb_ref[...]
        m = jnp.max(logits, axis=-1, keepdims=True)
        ex = jnp.exp(logits - m)
        probs = ex / jnp.sum(ex, axis=-1, keepdims=True)
        top1 = jnp.max(probs)
        sel = jnp.argmax(probs, axis=-1)[0].astype(jnp.int32)

        wd = wd_ref[sel]
        wu = wu_ref[sel]
        bd = bd_ref[sel]
        bu = bu_ref[sel]
        xb = x.astype(jnp.bfloat16)
        h = jnp.dot(xb, wd, preferred_element_type=jnp.float32) + bd
        h = jax.nn.gelu(h.astype(jnp.bfloat16))
        y = jnp.dot(h, wu, preferred_element_type=jnp.float32) + bu
        out_ref[i] = top1 * (x + y)

        logits_ref[i] = logits
        onehot = (lane == sel).astype(jnp.float32)
        imp_acc += onehot * top1
        load_acc += onehot * (1.0 / B)

    @pl.when(g == 0)
    def _init():
        imp_ref[...] = jnp.zeros_like(imp_ref)
        load_ref[...] = jnp.zeros_like(load_ref)

    imp_ref[...] += imp_acc
    load_ref[...] += load_acc


def _sc_router(logits_hbm, sel_hbm, ew_hbm, lg_v, sel_v, ew_v):
    cid = lax.axis_index("c")
    sid = lax.axis_index("s")

    @pl.when((cid == 0) & (sid == 0))
    def _body():
        pltpu.sync_copy(logits_hbm, lg_v)
        zero16 = jnp.zeros((16,), jnp.float32)

        for k in range(_CHUNKS):
            cols = [lg_v[pl.ds(e * B + 16 * k, 16)] for e in range(E)]
            m = cols[0]
            for e in range(1, E):
                m = jnp.maximum(m, cols[e])
            s = zero16
            for e in range(E):
                s = s + jnp.exp(cols[e] - m)
            top1 = 1.0 / s
            selv = jnp.zeros((16,), jnp.int32)
            for e in reversed(range(E)):
                selv = jnp.where(cols[e] == m, e, selv)

            sel_v[pl.ds(16 * k, 16)] = selv
            for e in range(E):
                ew_v[pl.ds(e * B + 16 * k, 16)] = jnp.where(
                    selv == e, top1, 0.0)

        pltpu.sync_copy(sel_v, sel_hbm)
        pltpu.sync_copy(ew_v, ew_hbm)


@jax.jit
def kernel(tokens, spatial_shape, gate_W, gate_b, W_down, b_down, W_up, b_up):
    del spatial_shape
    gb2 = gate_b.reshape(1, E)
    bd3 = b_down.reshape(E, 1, R)
    bu3 = b_up.reshape(E, 1, D)
    wd_bf = W_down.astype(jnp.bfloat16)
    wu_bf = W_up.astype(jnp.bfloat16)

    out, logits3, imp, load = pl.pallas_call(
        _fused_kernel,
        grid=(B // SPP,),
        in_specs=[
            pl.BlockSpec((SPP, T, D), lambda b: (b, 0, 0)),
            pl.BlockSpec((D, E), lambda b: (0, 0)),
            pl.BlockSpec((1, E), lambda b: (0, 0)),
            pl.BlockSpec((E, D, R), lambda b: (0, 0, 0)),
            pl.BlockSpec((E, 1, R), lambda b: (0, 0, 0)),
            pl.BlockSpec((E, R, D), lambda b: (0, 0, 0)),
            pl.BlockSpec((E, 1, D), lambda b: (0, 0, 0)),
        ],
        out_specs=[
            pl.BlockSpec((SPP, T, D), lambda b: (b, 0, 0)),
            pl.BlockSpec((SPP, 1, E), lambda b: (b, 0, 0)),
            pl.BlockSpec((1, E), lambda b: (0, 0)),
            pl.BlockSpec((1, E), lambda b: (0, 0)),
        ],
        out_shape=[
            jax.ShapeDtypeStruct((B, T, D), jnp.float32),
            jax.ShapeDtypeStruct((B, 1, E), jnp.float32),
            jax.ShapeDtypeStruct((1, E), jnp.float32),
            jax.ShapeDtypeStruct((1, E), jnp.float32),
        ],
        compiler_params=pltpu.CompilerParams(
            vmem_limit_bytes=100 * 1024 * 1024),
    )(tokens, gate_W, gb2, wd_bf, bd3, wu_bf, bu3)

    router_logits = logits3.reshape(B, E)

    sc = functools.partial(
        pl.kernel,
        mesh=plsc.VectorSubcoreMesh(core_axis_name="c", subcore_axis_name="s"),
        out_type=[
            jax.ShapeDtypeStruct((B,), jnp.int32),
            jax.ShapeDtypeStruct((E * B,), jnp.float32),
        ],
        scratch_types=[
            pltpu.VMEM((E * B,), jnp.float32),
            pltpu.VMEM((B,), jnp.int32),
            pltpu.VMEM((E * B,), jnp.float32),
        ],
    )
    sel, ew_flat = sc(_sc_router)(router_logits.T.reshape(E * B))

    selected_experts = sel.reshape(B, 1)
    expert_weights = ew_flat.reshape(E, B).T
    return (out, router_logits, selected_experts, expert_weights,
            imp.reshape(E), load.reshape(E))

# --- scband reference (transcript-rebuilt; emitter-appended) ---
"""Pipeline reference for scband-mo-eadapter-layer-25623774888288 (READ-ONLY COPY).

The authoritative reference and input builder live on the scoring server;
editing this copy changes nothing except your own understanding.
"""

import jax, jax.numpy as jnp
import numpy as np

B, T, D = 64, 576, 768
E, R = 8, 192


def setup_inputs(seed: int = 0) -> dict:
    key = jax.random.key(seed)
    ks = jax.random.split(key, 6)
    tokens = jax.random.normal(ks[0], (B, T, D), dtype=jnp.float32)
    spatial_shape = jnp.array([24, 24], dtype=jnp.int32)
    gate_W = jax.random.normal(ks[1], (D, E), dtype=jnp.float32) * (1.0 / np.sqrt(D))
    gate_b = jnp.zeros((E,), dtype=jnp.float32)
    W_down = jax.random.normal(ks[2], (E, D, R), dtype=jnp.float32) * (1.0 / np.sqrt(D))
    b_down = jnp.zeros((E, R), dtype=jnp.float32)
    W_up = jax.random.normal(ks[3], (E, R, D), dtype=jnp.float32) * (1.0 / np.sqrt(R))
    b_up = jnp.zeros((E, D), dtype=jnp.float32)
    return {
        "tokens": tokens,
        "spatial_shape": spatial_shape,
        "gate_W": gate_W,
        "gate_b": gate_b,
        "W_down": W_down,
        "b_down": b_down,
        "W_up": W_up,
        "b_up": b_up,
    }


def reference(tokens, spatial_shape, gate_W, gate_b, W_down, b_down, W_up, b_up):
    # TopKGating: mean-pool tokens per sample, linear router -> per-sample logits [B, E]
    pooled = tokens.mean(axis=1)
    router_logits = pooled @ gate_W + gate_b
    routing_probs = jax.nn.softmax(router_logits, axis=-1)
    top1_values, selected_experts = jax.lax.top_k(routing_probs, 1)
    sel = selected_experts[:, 0]

    # expert_weights.scatter_(dim=-1, index=selected, src=top1_values)
    expert_weights = jnp.zeros_like(router_logits).at[jnp.arange(B), sel].set(top1_values[:, 0])

    # Per-sample dispatch: gather the selected expert's adapter params and apply
    # bottleneck adapter (down -> GELU -> up) with residual connection.
    Wd = W_down[sel]          # [B, D, R]
    bd = b_down[sel]          # [B, R]
    Wu = W_up[sel]            # [B, R, D]
    bu = b_up[sel]            # [B, D]
    h = jax.nn.gelu(jnp.einsum('btd,bdr->btr', tokens, Wd) + bd[:, None, :])
    adapter_out = jnp.einsum('btr,brd->btd', h, Wu) + bu[:, None, :]
    expert_out = tokens + adapter_out

    # weighted_output[sample_mask] = top1 * expert_output (all samples covered by top-1)
    weighted_output = top1_values[:, 0][:, None, None] * expert_out

    importance = expert_weights.sum(axis=0)
    load = jnp.bincount(sel, length=E).astype(tokens.dtype) / B

    return (weighted_output, router_logits, selected_experts, expert_weights, importance, load)

if __name__ == "__main__":
    import jax
    _d = setup_inputs()
    print(jax.jit(kernel)(*tuple(_d.values())))

</pallas_src>

<mosaic_0001>
#map = affine_map<(d0, d1) -> (0)>
module attributes {stable_mosaic.version = 14 : i64} {
  func.func @_sc_router(%arg0: i32, %arg1: i32, %arg2: memref<512xf32, #tpu.memory_space<hbm>>, %arg3: memref<64xi32, #tpu.memory_space<hbm>>, %arg4: memref<512xf32, #tpu.memory_space<hbm>>, %arg5: memref<512xf32, #tpu.memory_space<vmem>>, %arg6: memref<64xi32, #tpu.memory_space<vmem>>, %arg7: memref<512xf32, #tpu.memory_space<vmem>>) attributes {dimension_semantics = [#tpu.dimension_semantics<core_parallel>, #tpu.dimension_semantics<subcore_parallel>], iteration_bounds = array<i64: 2, 16>, scalar_prefetch = 0 : i64, scratch_operands = 3 : i64, tpu.core_type = #tpu.core_type<sc_vector_subcore>, window_params = [{transform_indices = #map}, {transform_indices = #map}, {transform_indices = #map}]} {
    %eq3A = arith.constant 0 : i32
    %eq3A_0 = arith.cmpi eq, %arg0, %eq3A : i32
    %eq3A_1 = arith.constant 0 : i32
    %eq3A_2 = arith.cmpi eq, %arg1, %eq3A_1 : i32
    %and3A = arith.andi %eq3A_0, %eq3A_2 : i1
    %convert_element_type3A = arith.extui %and3A : i1 to i32
    %cond3A = arith.constant 0 : i32
    %cond3A_3 = arith.cmpi ne, %convert_element_type3A, %cond3A : i32
    scf.if %cond3A_3 {
      "tpu.region"() ({
        %run_scoped3A = tpu.sem_alloc : memref<!tpu.dma_semaphore, #tpu.memory_space<semaphore_mem>>
        tpu.enqueue_dma source(%arg2 : memref<512xf32, #tpu.memory_space<hbm>>) target(%arg5 : memref<512xf32, #tpu.memory_space<vmem>>) target_semaphore(%run_scoped3A : memref<!tpu.dma_semaphore, #tpu.memory_space<semaphore_mem>>)
        tpu.wait_dma2 semaphore(%run_scoped3A : memref<!tpu.dma_semaphore, #tpu.memory_space<semaphore_mem>>) src(%arg2 : memref<512xf32, #tpu.memory_space<hbm>>) dst(%arg5 : memref<512xf32, #tpu.memory_space<vmem>>)
        tpu.yield
      }) : () -> ()
      %broadcast_in_dim3A = arith.constant 0.000000e+00 : f32
      %broadcast_in_dim3A_4 = vector.broadcast %broadcast_in_dim3A : f32 to vector<16xf32>
      %get3A = arith.constant 0 : index
      %get3A_5 = tpu.vector_load %arg5[%get3A] {strides = array<i32>} : memref<512xf32, #tpu.memory_space<vmem>>, vector<16xf32>,
      %get3A_6 = vector.shape_cast %get3A_5 : vector<16xf32> to vector<16xf32>
      %get3A_7 = arith.constant 64 : index
      %get3A_8 = tpu.vector_load %arg5[%get3A_7] {strides = array<i32>} : memref<512xf32, #tpu.memory_space<vmem>>, vector<16xf32>,
      %get3A_9 = vector.shape_cast %get3A_8 : vector<16xf32> to vector<16xf32>
      %get3A_10 = arith.constant 128 : index
      %get3A_11 = tpu.vector_load %arg5[%get3A_10] {strides = array<i32>} : memref<512xf32, #tpu.memory_space<vmem>>, vector<16xf32>,
      %get3A_12 = vector.shape_cast %get3A_11 : vector<16xf32> to vector<16xf32>
      %get3A_13 = arith.constant 192 : index
      %get3A_14 = tpu.vector_load %arg5[%get3A_13] {strides = array<i32>} : memref<512xf32, #tpu.memory_space<vmem>>, vector<16xf32>,
      %get3A_15 = vector.shape_cast %get3A_14 : vector<16xf32> to vector<16xf32>
      %get3A_16 = arith.constant 256 : index
      %get3A_17 = tpu.vector_load %arg5[%get3A_16] {strides = array<i32>} : memref<512xf32, #tpu.memory_space<vmem>>, vector<16xf32>,
      %get3A_18 = vector.shape_cast %get3A_17 : vector<16xf32> to vector<16xf32>
      %get3A_19 = arith.constant 320 : index
      %get3A_20 = tpu.vector_load %arg5[%get3A_19] {strides = array<i32>} : memref<512xf32, #tpu.memory_space<vmem>>, vector<16xf32>,
      %get3A_21 = vector.shape_cast %get3A_20 : vector<16xf32> to vector<16xf32>
      %get3A_22 = arith.constant 384 : index
      %get3A_23 = tpu.vector_load %arg5[%get3A_22] {strides = array<i32>} : memref<512xf32, #tpu.memory_space<vmem>>, vector<16xf32>,
      %get3A_24 = vector.shape_cast %get3A_23 : vector<16xf32> to vector<16xf32>
      %get3A_25 = arith.constant 448 : index
      %get3A_26 = tpu.vector_load %arg5[%get3A_25] {strides = array<i32>} : memref<512xf32, #tpu.memory_space<vmem>>, vector<16xf32>,
      %get3A_27 = vector.shape_cast %get3A_26 : vector<16xf32> to vector<16xf32>
      %max3A = arith.maximumf %get3A_6, %get3A_9 : vector<16xf32>
      %max3A_28 = arith.maximumf %max3A, %get3A_12 : vector<16xf32>
      %max3A_29 = arith.maximumf %max3A_28, %get3A_15 : vector<16xf32>
      %max3A_30 = arith.maximumf %max3A_29, %get3A_18 : vector<16xf32>
      %max3A_31 = arith.maximumf %max3A_30, %get3A_21 : vector<16xf32>
      %max3A_32 = arith.maximumf %max3A_31, %get3A_24 : vector<16xf32>
      %max3A_33 = arith.maximumf %max3A_32, %get3A_27 : vector<16xf32>
      %sub3A = arith.subf %get3A_6, %max3A_33 : vector<16xf32>
      %exp3A = math.exp %sub3A : vector<16xf32>
      %add3A = arith.addf %broadcast_in_dim3A_4, %exp3A : vector<16xf32>
      %sub3A_34 = arith.subf %get3A_9, %max3A_33 : vector<16xf32>
      %exp3A_35 = math.exp %sub3A_34 : vector<16xf32>
      %add3A_36 = arith.addf %add3A, %exp3A_35 : vector<16xf32>
      %sub3A_37 = arith.subf %get3A_12, %max3A_33 : vector<16xf32>
      %exp3A_38 = math.exp %sub3A_37 : vector<16xf32>
      %add3A_39 = arith.addf %add3A_36, %exp3A_38 : vector<16xf32>
      %sub3A_40 = arith.subf %get3A_15, %max3A_33 : vector<16xf32>
      %exp3A_41 = math.exp %sub3A_40 : vector<16xf32>
      %add3A_42 = arith.addf %add3A_39, %exp3A_41 : vector<16xf32>
      %sub3A_43 = arith.subf %get3A_18, %max3A_33 : vector<16xf32>
      %exp3A_44 = math.exp %sub3A_43 : vector<16xf32>
      %add3A_45 = arith.addf %add3A_42, %exp3A_44 : vector<16xf32>
      %sub3A_46 = arith.subf %get3A_21, %max3A_33 : vector<16xf32>
      %exp3A_47 = math.exp %sub3A_46 : vector<16xf32>
      %add3A_48 = arith.addf %add3A_45, %exp3A_47 : vector<16xf32>
      %sub3A_49 = arith.subf %get3A_24, %max3A_33 : vector<16xf32>
      %exp3A_50 = math.exp %sub3A_49 : vector<16xf32>
      %add3A_51 = arith.addf %add3A_48, %exp3A_50 : vector<16xf32>
      %sub3A_52 = arith.subf %get3A_27, %max3A_33 : vector<16xf32>
      %exp3A_53 = math.exp %sub3A_52 : vector<16xf32>
      %add3A_54 = arith.addf %add3A_51, %exp3A_53 : vector<16xf32>
      %div3A = arith.constant 1.000000e+00 : f32
      %div3A_55 = vector.broadcast %div3A : f32 to vector<16xf32>
      %div3A_56 = arith.divf %div3A_55, %add3A_54 : vector<16xf32>
      %broadcast_in_dim3A_57 = arith.constant 0 : i32
      %broadcast_in_dim3A_58 = vector.broadcast %broadcast_in_dim3A_57 : i32 to vector<16xi32>
      %eq3A_59 = arith.cmpf oeq, %get3A_27, %max3A_33 : vector<16xf32>
      %jit3A = arith.constant 7 : i32
      %broadcast_in_dim3A_60 = vector.broadcast %jit3A : i32 to vector<16xi32>
      %select_n3A = arith.select %eq3A_59, %broadcast_in_dim3A_60, %broadcast_in_dim3A_58 : vector<16xi1>, vector<16xi32>
      %eq3A_61 = arith.cmpf oeq, %get3A_24, %max3A_33 : vector<16xf32>
      %jit3A_62 = arith.constant 6 : i32
      %broadcast_in_dim3A_63 = vector.broadcast %jit3A_62 : i32 to vector<16xi32>
      %select_n3A_64 = arith.select %eq3A_61, %broadcast_in_dim3A_63, %select_n3A : vector<16xi1>, vector<16xi32>
      %eq3A_65 = arith.cmpf oeq, %get3A_21, %max3A_33 : vector<16xf32>
      %jit3A_66 = arith.constant 5 : i32
      %broadcast_in_dim3A_67 = vector.broadcast %jit3A_66 : i32 to vector<16xi32>
      %select_n3A_68 = arith.select %eq3A_65, %broadcast_in_dim3A_67, %select_n3A_64 : vector<16xi1>, vector<16xi32>
      %eq3A_69 = arith.cmpf oeq, %get3A_18, %max3A_33 : vector<16xf32>
      %jit3A_70 = arith.constant 4 : i32
      %broadcast_in_dim3A_71 = vector.broadcast %jit3A_70 : i32 to vector<16xi32>
      %select_n3A_72 = arith.select %eq3A_69, %broadcast_in_dim3A_71, %select_n3A_68 : vector<16xi1>, vector<16xi32>
      %eq3A_73 = arith.cmpf oeq, %get3A_15, %max3A_33 : vector<16xf32>
      %jit3A_74 = arith.constant 3 : i32
      %broadcast_in_dim3A_75 = vector.broadcast %jit3A_74 : i32 to vector<16xi32>
      %select_n3A_76 = arith.select %eq3A_73, %broadcast_in_dim3A_75, %select_n3A_72 : vector<16xi1>, vector<16xi32>
      %eq3A_77 = arith.cmpf oeq, %get3A_12, %max3A_33 : vector<16xf32>
      %jit3A_78 = arith.constant 2 : i32
      %broadcast_in_dim3A_79 = vector.broadcast %jit3A_78 : i32 to vector<16xi32>
      %select_n3A_80 = arith.select %eq3A_77, %broadcast_in_dim3A_79, %select_n3A_76 : vector<16xi1>, vector<16xi32>
      %eq3A_81 = arith.cmpf oeq, %get3A_9, %max3A_33 : vector<16xf32>
      %jit3A_82 = arith.constant 1 : i32
      %broadcast_in_dim3A_83 = vector.broadcast %jit3A_82 : i32 to vector<16xi32>
      %select_n3A_84 = arith.select %eq3A_81, %broadcast_in_dim3A_83, %select_n3A_80 : vector<16xi1>, vector<16xi32>
      %eq3A_85 = arith.cmpf oeq, %get3A_6, %max3A_33 : vector<16xf32>
      %jit3A_86 = arith.constant 0 : i32
      %broadcast_in_dim3A_87 = vector.broadcast %jit3A_86 : i32 to vector<16xi32>
      %select_n3A_88 = arith.select %eq3A_85, %broadcast_in_dim3A_87, %select_n3A_84 : vector<16xi1>, vector<16xi32>
      %swap3A = arith.constant 0 : index
      %swap3A_89 = tpu.vector_load %arg6[%swap3A] {strides = array<i32>} : memref<64xi32, #tpu.memory_space<vmem>>, vector<16xi32>,
      %swap3A_90 = vector.shape_cast %swap3A_89 : vector<16xi32> to vector<16xi32>
      %swap3A_91 = vector.shape_cast %select_n3A_88 : vector<16xi32> to vector<16xi32>
      tpu.vector_store %arg6[%swap3A], %swap3A_91 {strides = array<i32>} : memref<64xi32, #tpu.memory_space<vmem>>, vector<16xi32>,
      %eq3A_92 = arith.constant 0 : i32
      %eq3A_93 = vector.broadcast %eq3A_92 : i32 to vector<16xi32>
      %eq3A_94 = arith.cmpi eq, %select_n3A_88, %eq3A_93 : vector<16xi32>
      %jit3A_95 = arith.constant 0.000000e+00 : f32
      %broadcast_in_dim3A_96 = vector.broadcast %jit3A_95 : f32 to vector<16xf32>
      %select_n3A_97 = arith.select %eq3A_94, %div3A_56, %broadcast_in_dim3A_96 : vector<16xi1>, vector<16xf32>
      %swap3A_98 = arith.constant 0 : index
      %swap3A_99 = tpu.vector_load %arg7[%swap3A_98] {strides = array<i32>} : memref<512xf32, #tpu.memory_space<vmem>>, vector<16xf32>,
      %swap3A_100 = vector.shape_cast %swap3A_99 : vector<16xf32> to vector<16xf32>
      %swap3A_101 = vector.shape_cast %select_n3A_97 : vector<16xf32> to vector<16xf32>
      tpu.vector_store %arg7[%swap3A_98], %swap3A_101 {strides = array<i32>} : memref<512xf32, #tpu.memory_space<vmem>>, vector<16xf32>,
      %eq3A_102 = arith.constant 1 : i32
      %eq3A_103 = vector.broadcast %eq3A_102 : i32 to vector<16xi32>
      %eq3A_104 = arith.cmpi eq, %select_n3A_88, %eq3A_103 : vector<16xi32>
      %jit3A_105 = arith.constant 0.000000e+00 : f32
      %broadcast_in_dim3A_106 = vector.broadcast %jit3A_105 : f32 to vector<16xf32>
      %select_n3A_107 = arith.select %eq3A_104, %div3A_56, %broadcast_in_dim3A_106 : vector<16xi1>, vector<16xf32>
      %swap3A_108 = arith.constant 64 : index
      %swap3A_109 = tpu.vector_load %arg7[%swap3A_108] {strides = array<i32>} : memref<512xf32, #tpu.memory_space<vmem>>, vector<16xf32>,
      %swap3A_110 = vector.shape_cast %swap3A_109 : vector<16xf32> to vector<16xf32>
      %swap3A_111 = vector.shape_cast %select_n3A_107 : vector<16xf32> to vector<16xf32>
      tpu.vector_store %arg7[%swap3A_108], %swap3A_111 {strides = array<i32>} : memref<512xf32, #tpu.memory_space<vmem>>, vector<16xf32>,
      %eq3A_112 = arith.constant 2 : i32
      %eq3A_113 = vector.broadcast %eq3A_112 : i32 to vector<16xi32>
      %eq3A_114 = arith.cmpi eq, %select_n3A_88, %eq3A_113 : vector<16xi32>
      %jit3A_115 = arith.constant 0.000000e+00 : f32
      %broadcast_in_dim3A_116 = vector.broadcast %jit3A_115 : f32 to vector<16xf32>
      %select_n3A_117 = arith.select %eq3A_114, %div3A_56, %broadcast_in_dim3A_116 : vector<16xi1>, vector<16xf32>
      %swap3A_118 = arith.constant 128 : index
      %swap3A_119 = tpu.vector_load %arg7[%swap3A_118] {strides = array<i32>} : memref<512xf32, #tpu.memory_space<vmem>>, vector<16xf32>,
      %swap3A_120 = vector.shape_cast %swap3A_119 : vector<16xf32> to vector<16xf32>
      %swap3A_121 = vector.shape_cast %select_n3A_117 : vector<16xf32> to vector<16xf32>
      tpu.vector_store %arg7[%swap3A_118], %swap3A_121 {strides = array<i32>} : memref<512xf32, #tpu.memory_space<vmem>>, vector<16xf32>,
      %eq3A_122 = arith.constant 3 : i32
      %eq3A_123 = vector.broadcast %eq3A_122 : i32 to vector<16xi32>
      %eq3A_124 = arith.cmpi eq, %select_n3A_88, %eq3A_123 : vector<16xi32>
      %jit3A_125 = arith.constant 0.000000e+00 : f32
      %broadcast_in_dim3A_126 = vector.broadcast %jit3A_125 : f32 to vector<16xf32>
      %select_n3A_127 = arith.select %eq3A_124, %div3A_56, %broadcast_in_dim3A_126 : vector<16xi1>, vector<16xf32>
      %swap3A_128 = arith.constant 192 : index
      %swap3A_129 = tpu.vector_load %arg7[%swap3A_128] {strides = array<i32>} : memref<512xf32, #tpu.memory_space<vmem>>, vector<16xf32>,
      %swap3A_130 = vector.shape_cast %swap3A_129 : vector<16xf32> to vector<16xf32>
      %swap3A_131 = vector.shape_cast %select_n3A_127 : vector<16xf32> to vector<16xf32>
      tpu.vector_store %arg7[%swap3A_128], %swap3A_131 {strides = array<i32>} : memref<512xf32, #tpu.memory_space<vmem>>, vector<16xf32>,
      %eq3A_132 = arith.constant 4 : i32
      %eq3A_133 = vector.broadcast %eq3A_132 : i32 to vector<16xi32>
      %eq3A_134 = arith.cmpi eq, %select_n3A_88, %eq3A_133 : vector<16xi32>
      %jit3A_135 = arith.constant 0.000000e+00 : f32
      %broadcast_in_dim3A_136 = vector.broadcast %jit3A_135 : f32 to vector<16xf32>
      %select_n3A_137 = arith.select %eq3A_134, %div3A_56, %broadcast_in_dim3A_136 : vector<16xi1>, vector<16xf32>
      %swap3A_138 = arith.constant 256 : index
      %swap3A_139 = tpu.vector_load %arg7[%swap3A_138] {strides = array<i32>} : memref<512xf32, #tpu.memory_space<vmem>>, vector<16xf32>,
      %swap3A_140 = vector.shape_cast %swap3A_139 : vector<16xf32> to vector<16xf32>
      %swap3A_141 = vector.shape_cast %select_n3A_137 : vector<16xf32> to vector<16xf32>
      tpu.vector_store %arg7[%swap3A_138], %swap3A_141 {strides = array<i32>} : memref<512xf32, #tpu.memory_space<vmem>>, vector<16xf32>,
      %eq3A_142 = arith.constant 5 : i32
      %eq3A_143 = vector.broadcast %eq3A_142 : i32 to vector<16xi32>
      %eq3A_144 = arith.cmpi eq, %select_n3A_88, %eq3A_143 : vector<16xi32>
      %jit3A_145 = arith.constant 0.000000e+00 : f32
      %broadcast_in_dim3A_146 = vector.broadcast %jit3A_145 : f32 to vector<16xf32>
      %select_n3A_147 = arith.select %eq3A_144, %div3A_56, %broadcast_in_dim3A_146 : vector<16xi1>, vector<16xf32>
      %swap3A_148 = arith.constant 320 : index
      %swap3A_149 = tpu.vector_load %arg7[%swap3A_148] {strides = array<i32>} : memref<512xf32, #tpu.memory_space<vmem>>, vector<16xf32>,
      %swap3A_150 = vector.shape_cast %swap3A_149 : vector<16xf32> to vector<16xf32>
      %swap3A_151 = vector.shape_cast %select_n3A_147 : vector<16xf32> to vector<16xf32>
      tpu.vector_store %arg7[%swap3A_148], %swap3A_151 {strides = array<i32>} : memref<512xf32, #tpu.memory_space<vmem>>, vector<16xf32>,
      %eq3A_152 = arith.constant 6 : i32
      %eq3A_153 = vector.broadcast %eq3A_152 : i32 to vector<16xi32>
      %eq3A_154 = arith.cmpi eq, %select_n3A_88, %eq3A_153 : vector<16xi32>
      %jit3A_155 = arith.constant 0.000000e+00 : f32
      %broadcast_in_dim3A_156 = vector.broadcast %jit3A_155 : f32 to vector<16xf32>
      %select_n3A_157 = arith.select %eq3A_154, %div3A_56, %broadcast_in_dim3A_156 : vector<16xi1>, vector<16xf32>
      %swap3A_158 = arith.constant 384 : index
      %swap3A_159 = tpu.vector_load %arg7[%swap3A_158] {strides = array<i32>} : memref<512xf32, #tpu.memory_space<vmem>>, vector<16xf32>,
      %swap3A_160 = vector.shape_cast %swap3A_159 : vector<16xf32> to vector<16xf32>
      %swap3A_161 = vector.shape_cast %select_n3A_157 : vector<16xf32> to vector<16xf32>
      tpu.vector_store %arg7[%swap3A_158], %swap3A_161 {strides = array<i32>} : memref<512xf32, #tpu.memory_space<vmem>>, vector<16xf32>,
      %eq3A_162 = arith.constant 7 : i32
      %eq3A_163 = vector.broadcast %eq3A_162 : i32 to vector<16xi32>
      %eq3A_164 = arith.cmpi eq, %select_n3A_88, %eq3A_163 : vector<16xi32>
      %jit3A_165 = arith.constant 0.000000e+00 : f32
      %broadcast_in_dim3A_166 = vector.broadcast %jit3A_165 : f32 to vector<16xf32>
      %select_n3A_167 = arith.select %eq3A_164, %div3A_56, %broadcast_in_dim3A_166 : vector<16xi1>, vector<16xf32>
      %swap3A_168 = arith.constant 448 : index
      %swap3A_169 = tpu.vector_load %arg7[%swap3A_168] {strides = array<i32>} : memref<512xf32, #tpu.memory_space<vmem>>, vector<16xf32>,
      %swap3A_170 = vector.shape_cast %swap3A_169 : vector<16xf32> to vector<16xf32>
      %swap3A_171 = vector.shape_cast %select_n3A_167 : vector<16xf32> to vector<16xf32>
      tpu.vector_store %arg7[%swap3A_168], %swap3A_171 {strides = array<i32>} : memref<512xf32, #tpu.memory_space<vmem>>, vector<16xf32>,
      %get3A_172 = arith.constant 16 : index
      %get3A_173 = tpu.vector_load %arg5[%get3A_172] {strides = array<i32>} : memref<512xf32, #tpu.memory_space<vmem>>, vector<16xf32>,
      %get3A_174 = vector.shape_cast %get3A_173 : vector<16xf32> to vector<16xf32>
      %get3A_175 = arith.constant 80 : index
      %get3A_176 = tpu.vector_load %arg5[%get3A_175] {strides = array<i32>} : memref<512xf32, #tpu.memory_space<vmem>>, vector<16xf32>,
      %get3A_177 = vector.shape_cast %get3A_176 : vector<16xf32> to vector<16xf32>
      %get3A_178 = arith.constant 144 : index
      %get3A_179 = tpu.vector_load %arg5[%get3A_178] {strides = array<i32>} : memref<512xf32, #tpu.memory_space<vmem>>, vector<16xf32>,
      %get3A_180 = vector.shape_cast %get3A_179 : vector<16xf32> to vector<16xf32>
      %get3A_181 = arith.constant 208 : index
      %get3A_182 = tpu.vector_load %arg5[%get3A_181] {strides = array<i32>} : memref<512xf32, #tpu.memory_space<vmem>>, vector<16xf32>,
      %get3A_183 = vector.shape_cast %get3A_182 : vector<16xf32> to vector<16xf32>
      %get3A_184 = arith.constant 272 : index
      %get3A_185 = tpu.vector_load %arg5[%get3A_184] {strides = array<i32>} : memref<512xf32, #tpu.memory_space<vmem>>, vector<16xf32>,
      %get3A_186 = vector.shape_cast %get3A_185 : vector<16xf32> to vector<16xf32>
      %get3A_187 = arith.constant 336 : index
      %get3A_188 = tpu.vector_load %arg5[%get3A_187] {strides = array<i32>} : memref<512xf32, #tpu.memory_space<vmem>>, vector<16xf32>,
      %get3A_189 = vector.shape_cast %get3A_188 : vector<16xf32> to vector<16xf32>
      %get3A_190 = arith.constant 400 : index
      %get3A_191 = tpu.vector_load %arg5[%get3A_190] {strides = array<i32>} : memref<512xf32, #tpu.memory_space<vmem>>, vector<16xf32>,
      %get3A_192 = vector.shape_cast %get3A_191 : vector<16xf32> to vector<16xf32>
      %get3A_193 = arith.constant 464 : index
      %get3A_194 = tpu.vector_load %arg5[%get3A_193] {strides = array<i32>} : memref<512xf32, #tpu.memory_space<vmem>>, vector<16xf32>,
      %get3A_195 = vector.shape_cast %get3A_194 : vector<16xf32> to vector<16xf32>
      %max3A_196 = arith.maximumf %get3A_174, %get3A_177 : vector<16xf32>
      %max3A_197 = arith.maximumf %max3A_196, %get3A_180 : vector<16xf32>
      %max3A_198 = arith.maximumf %max3A_197, %get3A_183 : vector<16xf32>
      %max3A_199 = arith.maximumf %max3A_198, %get3A_186 : vector<16xf32>
      %max3A_200 = arith.maximumf %max3A_199, %get3A_189 : vector<16xf32>
      %max3A_201 = arith.maximumf %max3A_200, %get3A_192 : vector<16xf32>
      %max3A_202 = arith.maximumf %max3A_201, %get3A_195 : vector<16xf32>
      %sub3A_203 = arith.subf %get3A_174, %max3A_202 : vector<16xf32>
      %exp3A_204 = math.exp %sub3A_203 : vector<16xf32>
      %add3A_205 = arith.addf %broadcast_in_dim3A_4, %exp3A_204 : vector<16xf32>
      %sub3A_206 = arith.subf %get3A_177, %max3A_202 : vector<16xf32>
      %exp3A_207 = math.exp %sub3A_206 : vector<16xf32>
      %add3A_208 = arith.addf %add3A_205, %exp3A_207 : vector<16xf32>
      %sub3A_209 = arith.subf %get3A_180, %max3A_202 : vector<16xf32>
      %exp3A_210 = math.exp %sub3A_209 : vector<16xf32>
      %add3A_211 = arith.addf %add3A_208, %exp3A_210 : vector<16xf32>
      %sub3A_212 = arith.subf %get3A_183, %max3A_202 : vector<16xf32>
      %exp3A_213 = math.exp %sub3A_212 : vector<16xf32>
      %add3A_214 = arith.addf %add3A_211, %exp3A_213 : vector<16xf32>
      %sub3A_215 = arith.subf %get3A_186, %max3A_202 : vector<16xf32>
      %exp3A_216 = math.exp %sub3A_215 : vector<16xf32>
      %add3A_217 = arith.addf %add3A_214, %exp3A_216 : vector<16xf32>
      %sub3A_218 = arith.subf %get3A_189, %max3A_202 : vector<16xf32>
      %exp3A_219 = math.exp %sub3A_218 : vector<16xf32>
      %add3A_220 = arith.addf %add3A_217, %exp3A_219 : vector<16xf32>
      %sub3A_221 = arith.subf %get3A_192, %max3A_202 : vector<16xf32>
      %exp3A_222 = math.exp %sub3A_221 : vector<16xf32>
      %add3A_223 = arith.addf %add3A_220, %exp3A_222 : vector<16xf32>
      %sub3A_224 = arith.subf %get3A_195, %max3A_202 : vector<16xf32>
      %exp3A_225 = math.exp %sub3A_224 : vector<16xf32>
      %add3A_226 = arith.addf %add3A_223, %exp3A_225 : vector<16xf32>
      %div3A_227 = arith.constant 1.000000e+00 : f32
      %div3A_228 = vector.broadcast %div3A_227 : f32 to vector<16xf32>
      %div3A_229 = arith.divf %div3A_228, %add3A_226 : vector<16xf32>
      %broadcast_in_dim3A_230 = arith.constant 0 : i32
      %broadcast_in_dim3A_231 = vector.broadcast %broadcast_in_dim3A_230 : i32 to vector<16xi32>
      %eq3A_232 = arith.cmpf oeq, %get3A_195, %max3A_202 : vector<16xf32>
      %jit3A_233 = arith.constant 7 : i32
      %broadcast_in_dim3A_234 = vector.broadcast %jit3A_233 : i32 to vector<16xi32>
      %select_n3A_235 = arith.select %eq3A_232, %broadcast_in_dim3A_234, %broadcast_in_dim3A_231 : vector<16xi1>, vector<16xi32>
      %eq3A_236 = arith.cmpf oeq, %get3A_192, %max3A_202 : vector<16xf32>
      %jit3A_237 = arith.constant 6 : i32
      %broadcast_in_dim3A_238 = vector.broadcast %jit3A_237 : i32 to vector<16xi32>
      %select_n3A_239 = arith.select %eq3A_236, %broadcast_in_dim3A_238, %select_n3A_235 : vector<16xi1>, vector<16xi32>
      %eq3A_240 = arith.cmpf oeq, %get3A_189, %max3A_202 : vector<16xf32>
      %jit3A_241 = arith.constant 5 : i32
      %broadcast_in_dim3A_242 = vector.broadcast %jit3A_241 : i32 to vector<16xi32>
      %select_n3A_243 = arith.select %eq3A_240, %broadcast_in_dim3A_242, %select_n3A_239 : vector<16xi1>, vector<16xi32>
      %eq3A_244 = arith.cmpf oeq, %get3A_186, %max3A_202 : vector<16xf32>
      %jit3A_245 = arith.constant 4 : i32
      %broadcast_in_dim3A_246 = vector.broadcast %jit3A_245 : i32 to vector<16xi32>
      %select_n3A_247 = arith.select %eq3A_244, %broadcast_in_dim3A_246, %select_n3A_243 : vector<16xi1>, vector<16xi32>
      %eq3A_248 = arith.cmpf oeq, %get3A_183, %max3A_202 : vector<16xf32>
      %jit3A_249 = arith.constant 3 : i32
      %broadcast_in_dim3A_250 = vector.broadcast %jit3A_249 : i32 to vector<16xi32>
      %select_n3A_251 = arith.select %eq3A_248, %broadcast_in_dim3A_250, %select_n3A_247 : vector<16xi1>, vector<16xi32>
      %eq3A_252 = arith.cmpf oeq, %get3A_180, %max3A_202 : vector<16xf32>
      %jit3A_253 = arith.constant 2 : i32
      %broadcast_in_dim3A_254 = vector.broadcast %jit3A_253 : i32 to vector<16xi32>
      %select_n3A_255 = arith.select %eq3A_252, %broadcast_in_dim3A_254, %select_n3A_251 : vector<16xi1>, vector<16xi32>
      %eq3A_256 = arith.cmpf oeq, %get3A_177, %max3A_202 : vector<16xf32>
      %jit3A_257 = arith.constant 1 : i32
      %broadcast_in_dim3A_258 = vector.broadcast %jit3A_257 : i32 to vector<16xi32>
      %select_n3A_259 = arith.select %eq3A_256, %broadcast_in_dim3A_258, %select_n3A_255 : vector<16xi1>, vector<16xi32>
      %eq3A_260 = arith.cmpf oeq, %get3A_174, %max3A_202 : vector<16xf32>
      %jit3A_261 = arith.constant 0 : i32
      %broadcast_in_dim3A_262 = vector.broadcast %jit3A_261 : i32 to vector<16xi32>
      %select_n3A_263 = arith.select %eq3A_260, %broadcast_in_dim3A_262, %select_n3A_259 : vector<16xi1>, vector<16xi32>
      %swap3A_264 = arith.constant 16 : index
      %swap3A_265 = tpu.vector_load %arg6[%swap3A_264] {strides = array<i32>} : memref<64xi32, #tpu.memory_space<vmem>>, vector<16xi32>,
      %swap3A_266 = vector.shape_cast %swap3A_265 : vector<16xi32> to vector<16xi32>
      %swap3A_267 = vector.shape_cast %select_n3A_263 : vector<16xi32> to vector<16xi32>
      tpu.vector_store %arg6[%swap3A_264], %swap3A_267 {strides = array<i32>} : memref<64xi32, #tpu.memory_space<vmem>>, vector<16xi32>,
      %eq3A_268 = arith.constant 0 : i32
      %eq3A_269 = vector.broadcast %eq3A_268 : i32 to vector<16xi32>
      %eq3A_270 = arith.cmpi eq, %select_n3A_263, %eq3A_269 : vector<16xi32>
      %jit3A_271 = arith.constant 0.000000e+00 : f32
      %broadcast_in_dim3A_272 = vector.broadcast %jit3A_271 : f32 to vector<16xf32>
      %select_n3A_273 = arith.select %eq3A_270, %div3A_229, %broadcast_in_dim3A_272 : vector<16xi1>, vector<16xf32>
      %swap3A_274 = arith.constant 16 : index
      %swap3A_275 = tpu.vector_load %arg7[%swap3A_274] {strides = array<i32>} : memref<512xf32, #tpu.memory_space<vmem>>, vector<16xf32>,
      %swap3A_276 = vector.shape_cast %swap3A_275 : vector<16xf32> to vector<16xf32>
      %swap3A_277 = vector.shape_cast %select_n3A_273 : vector<16xf32> to vector<16xf32>
      tpu.vector_store %arg7[%swap3A_274], %swap3A_277 {strides = array<i32>} : memref<512xf32, #tpu.memory_space<vmem>>, vector<16xf32>,
      %eq3A_278 = arith.constant 1 : i32
      %eq3A_279 = vector.broadcast %eq3A_278 : i32 to vector<16xi32>
      %eq3A_280 = arith.cmpi eq, %select_n3A_263, %eq3A_279 : vector<16xi32>
      %jit3A_281 = arith.constant 0.000000e+00 : f32
      %broadcast_in_dim3A_282 = vector.broadcast %jit3A_281 : f32 to vector<16xf32>
      %select_n3A_283 = arith.select %eq3A_280, %div3A_229, %broadcast_in_dim3A_282 : vector<16xi1>, vector<16xf32>
      %swap3A_284 = arith.constant 80 : index
      %swap3A_285 = tpu.vector_load %arg7[%swap3A_284] {strides = array<i32>} : memref<512xf32, #tpu.memory_space<vmem>>, vector<16xf32>,
      %swap3A_286 = vector.shape_cast %swap3A_285 : vector<16xf32> to vector<16xf32>
      %swap3A_287 = vector.shape_cast %select_n3A_283 : vector<16xf32> to vector<16xf32>
      tpu.vector_store %arg7[%swap3A_284], %swap3A_287 {strides = array<i32>} : memref<512xf32, #tpu.memory_space<vmem>>, vector<16xf32>,
      %eq3A_288 = arith.constant 2 : i32
      %eq3A_289 = vector.broadcast %eq3A_288 : i32 to vector<16xi32>
      %eq3A_290 = arith.cmpi eq, %select_n3A_263, %eq3A_289 : vector<16xi32>
      %jit3A_291 = arith.constant 0.000000e+00 : f32
      %broadcast_in_dim3A_292 = vector.broadcast %jit3A_291 : f32 to vector<16xf32>
      %select_n3A_293 = arith.select %eq3A_290, %div3A_229, %broadcast_in_dim3A_292 : vector<16xi1>, vector<16xf32>
      %swap3A_294 = arith.constant 144 : index
      %swap3A_295 = tpu.vector_load %arg7[%swap3A_294] {strides = array<i32>} : memref<512xf32, #tpu.memory_space<vmem>>, vector<16xf32>,
      %swap3A_296 = vector.shape_cast %swap3A_295 : vector<16xf32> to vector<16xf32>
      %swap3A_297 = vector.shape_cast %select_n3A_293 : vector<16xf32> to vector<16xf32>
      tpu.vector_store %arg7[%swap3A_294], %swap3A_297 {strides = array<i32>} : memref<512xf32, #tpu.memory_space<vmem>>, vector<16xf32>,
      %eq3A_298 = arith.constant 3 : i32
      %eq3A_299 = vector.broadcast %eq3A_298 : i32 to vector<16xi32>
      %eq3A_300 = arith.cmpi eq, %select_n3A_263, %eq3A_299 : vector<16xi32>
      %jit3A_301 = arith.constant 0.000000e+00 : f32
      %broadcast_in_dim3A_302 = vector.broadcast %jit3A_301 : f32 to vector<16xf32>
      %select_n3A_303 = arith.select %eq3A_300, %div3A_229, %broadcast_in_dim3A_302 : vector<16xi1>, vector<16xf32>
      %swap3A_304 = arith.constant 208 : index
      %swap3A_305 = tpu.vector_load %arg7[%swap3A_304] {strides = array<i32>} : memref<512xf32, #tpu.memory_space<vmem>>, vector<16xf32>,
      %swap3A_306 = vector.shape_cast %swap3A_305 : vector<16xf32> to vector<16xf32>
      %swap3A_307 = vector.shape_cast %select_n3A_303 : vector<16xf32> to vector<16xf32>
      tpu.vector_store %arg7[%swap3A_304], %swap3A_307 {strides = array<i32>} : memref<512xf32, #tpu.memory_space<vmem>>, vector<16xf32>,
      %eq3A_308 = arith.constant 4 : i32
      %eq3A_309 = vector.broadcast %eq3A_308 : i32 to vector<16xi32>
      %eq3A_310 = arith.cmpi eq, %select_n3A_263, %eq3A_309 : vector<16xi32>
      %jit3A_311 = arith.constant 0.000000e+00 : f32
      %broadcast_in_dim3A_312 = vector.broadcast %jit3A_311 : f32 to vector<16xf32>
      %select_n3A_313 = arith.select %eq3A_310, %div3A_229, %broadcast_in_dim3A_312 : vector<16xi1>, vector<16xf32>
      %swap3A_314 = arith.constant 272 : index
      %swap3A_315 = tpu.vector_load %arg7[%swap3A_314] {strides = array<i32>} : memref<512xf32, #tpu.memory_space<vmem>>, vector<16xf32>,
      %swap3A_316 = vector.shape_cast %swap3A_315 : vector<16xf32> to vector<16xf32>
      %swap3A_317 = vector.shape_cast %select_n3A_313 : vector<16xf32> to vector<16xf32>
      tpu.vector_store %arg7[%swap3A_314], %swap3A_317 {strides = array<i32>} : memref<512xf32, #tpu.memory_space<vmem>>, vector<16xf32>,
      %eq3A_318 = arith.constant 5 : i32
      %eq3A_319 = vector.broadcast %eq3A_318 : i32 to vector<16xi32>
      %eq3A_320 = arith.cmpi eq, %select_n3A_263, %eq3A_319 : vector<16xi32>
      %jit3A_321 = arith.constant 0.000000e+00 : f32
      %broadcast_in_dim3A_322 = vector.broadcast %jit3A_321 : f32 to vector<16xf32>
      %select_n3A_323 = arith.select %eq3A_320, %div3A_229, %broadcast_in_dim3A_322 : vector<16xi1>, vector<16xf32>
      %swap3A_324 = arith.constant 336 : index
      %swap3A_325 = tpu.vector_load %arg7[%swap3A_324] {strides = array<i32>} : memref<512xf32, #tpu.memory_space<vmem>>, vector<16xf32>,
      %swap3A_326 = vector.shape_cast %swap3A_325 : vector<16xf32> to vector<16xf32>
      %swap3A_327 = vector.shape_cast %select_n3A_323 : vector<16xf32> to vector<16xf32>
      tpu.vector_store %arg7[%swap3A_324], %swap3A_327 {strides = array<i32>} : memref<512xf32, #tpu.memory_space<vmem>>, vector<16xf32>,
      %eq3A_328 = arith.constant 6 : i32
      %eq3A_329 = vector.broadcast %eq3A_328 : i32 to vector<16xi32>
      %eq3A_330 = arith.cmpi eq, %select_n3A_263, %eq3A_329 : vector<16xi32>
      %jit3A_331 = arith.constant 0.000000e+00 : f32
      %broadcast_in_dim3A_332 = vector.broadcast %jit3A_331 : f32 to vector<16xf32>
      %select_n3A_333 = arith.select %eq3A_330, %div3A_229, %broadcast_in_dim3A_332 : vector<16xi1>, vector<16xf32>
      %swap3A_334 = arith.constant 400 : index
      %swap3A_335 = tpu.vector_load %arg7[%swap3A_334] {strides = array<i32>} : memref<512xf32, #tpu.memory_space<vmem>>, vector<16xf32>,
      %swap3A_336 = vector.shape_cast %swap3A_335 : vector<16xf32> to vector<16xf32>
      %swap3A_337 = vector.shape_cast %select_n3A_333 : vector<16xf32> to vector<16xf32>
      tpu.vector_store %arg7[%swap3A_334], %swap3A_337 {strides = array<i32>} : memref<512xf32, #tpu.memory_space<vmem>>, vector<16xf32>,
      %eq3A_338 = arith.constant 7 : i32
      %eq3A_339 = vector.broadcast %eq3A_338 : i32 to vector<16xi32>
      %eq3A_340 = arith.cmpi eq, %select_n3A_263, %eq3A_339 : vector<16xi32>
      %jit3A_341 = arith.constant 0.000000e+00 : f32
      %broadcast_in_dim3A_342 = vector.broadcast %jit3A_341 : f32 to vector<16xf32>
      %select_n3A_343 = arith.select %eq3A_340, %div3A_229, %broadcast_in_dim3A_342 : vector<16xi1>, vector<16xf32>
      %swap3A_344 = arith.constant 464 : index
      %swap3A_345 = tpu.vector_load %arg7[%swap3A_344] {strides = array<i32>} : memref<512xf32, #tpu.memory_space<vmem>>, vector<16xf32>,
      %swap3A_346 = vector.shape_cast %swap3A_345 : vector<16xf32> to vector<16xf32>
      %swap3A_347 = vector.shape_cast %select_n3A_343 : vector<16xf32> to vector<16xf32>
      tpu.vector_store %arg7[%swap3A_344], %swap3A_347 {strides = array<i32>} : memref<512xf32, #tpu.memory_space<vmem>>, vector<16xf32>,
      %get3A_348 = arith.constant 32 : index
      %get3A_349 = tpu.vector_load %arg5[%get3A_348] {strides = array<i32>} : memref<512xf32, #tpu.memory_space<vmem>>, vector<16xf32>,
      %get3A_350 = vector.shape_cast %get3A_349 : vector<16xf32> to vector<16xf32>
      %get3A_351 = arith.constant 96 : index
      %get3A_352 = tpu.vector_load %arg5[%get3A_351] {strides = array<i32>} : memref<512xf32, #tpu.memory_space<vmem>>, vector<16xf32>,
      %get3A_353 = vector.shape_cast %get3A_352 : vector<16xf32> to vector<16xf32>
      %get3A_354 = arith.constant 160 : index
      %get3A_355 = tpu.vector_load %arg5[%get3A_354] {strides = array<i32>} : memref<512xf32, #tpu.memory_space<vmem>>, vector<16xf32>,
      %get3A_356 = vector.shape_cast %get3A_355 : vector<16xf32> to vector<16xf32>
      %get3A_357 = arith.constant 224 : index
      %get3A_358 = tpu.vector_load %arg5[%get3A_357] {strides = array<i32>} : memref<512xf32, #tpu.memory_space<vmem>>, vector<16xf32>,
      %get3A_359 = vector.shape_cast %get3A_358 : vector<16xf32> to vector<16xf32>
      %get3A_360 = arith.constant 288 : index
      %get3A_361 = tpu.vector_load %arg5[%get3A_360] {strides = array<i32>} : memref<512xf32, #tpu.memory_space<vmem>>, vector<16xf32>,
      %get3A_362 = vector.shape_cast %get3A_361 : vector<16xf32> to vector<16xf32>
      %get3A_363 = arith.constant 352 : index
      %get3A_364 = tpu.vector_load %arg5[%get3A_363] {strides = array<i32>} : memref<512xf32, #tpu.memory_space<vmem>>, vector<16xf32>,
      %get3A_365 = vector.shape_cast %get3A_364 : vector<16xf32> to vector<16xf32>
      %get3A_366 = arith.constant 416 : index
      %get3A_367 = tpu.vector_load %arg5[%get3A_366] {strides = array<i32>} : memref<512xf32, #tpu.memory_space<vmem>>, vector<16xf32>,
      %get3A_368 = vector.shape_cast %get3A_367 : vector<16xf32> to vector<16xf32>
      %get3A_369 = arith.constant 480 : index
      %get3A_370 = tpu.vector_load %arg5[%get3A_369] {strides = array<i32>} : memref<512xf32, #tpu.memory_space<vmem>>, vector<16xf32>,
      %get3A_371 = vector.shape_cast %get3A_370 : vector<16xf32> to vector<16xf32>
      %max3A_372 = arith.maximumf %get3A_350, %get3A_353 : vector<16xf32>
      %max3A_373 = arith.maximumf %max3A_372, %get3A_356 : vector<16xf32>
      %max3A_374 = arith.maximumf %max3A_373, %get3A_359 : vector<16xf32>
      %max3A_375 = arith.maximumf %max3A_374, %get3A_362 : vector<16xf32>
      %max3A_376 = arith.maximumf %max3A_375, %get3A_365 : vector<16xf32>
      %max3A_377 = arith.maximumf %max3A_376, %get3A_368 : vector<16xf32>
      %max3A_378 = arith.maximumf %max3A_377, %get3A_371 : vector<16xf32>
      %sub3A_379 = arith.subf %get3A_350, %max3A_378 : vector<16xf32>
      %exp3A_380 = math.exp %sub3A_379 : vector<16xf32>
      %add3A_381 = arith.addf %broadcast_in_dim3A_4, %exp3A_380 : vector<16xf32>
      %sub3A_382 = arith.subf %get3A_353, %max3A_378 : vector<16xf32>
      %exp3A_383 = math.exp %sub3A_382 : vector<16xf32>
      %add3A_384 = arith.addf %add3A_381, %exp3A_383 : vector<16xf32>
      %sub3A_385 = arith.subf %get3A_356, %max3A_378 : vector<16xf32>
      %exp3A_386 = math.exp %sub3A_385 : vector<16xf32>
      %add3A_387 = arith.addf %add3A_384, %exp3A_386 : vector<16xf32>
      %sub3A_388 = arith.subf %get3A_359, %max3A_378 : vector<16xf32>
      %exp3A_389 = math.exp %sub3A_388 : vector<16xf32>
      %add3A_390 = arith.addf %add3A_387, %exp3A_389 : vector<16xf32>
      %sub3A_391 = arith.subf %get3A_362, %max3A_378 : vector<16xf32>
      %exp3A_392 = math.exp %sub3A_391 : vector<16xf32>
      %add3A_393 = arith.addf %add3A_390, %exp3A_392 : vector<16xf32>
      %sub3A_394 = arith.subf %get3A_365, %max3A_378 : vector<16xf32>
      %exp3A_395 = math.exp %sub3A_394 : vector<16xf32>
      %add3A_396 = arith.addf %add3A_393, %exp3A_395 : vector<16xf32>
      %sub3A_397 = arith.subf %get3A_368, %max3A_378 : vector<16xf32>
      %exp3A_398 = math.exp %sub3A_397 : vector<16xf32>
      %add3A_399 = arith.addf %add3A_396, %exp3A_398 : vector<16xf32>
      %sub3A_400 = arith.subf %get3A_371, %max3A_378 : vector<16xf32>
      %exp3A_401 = math.exp %sub3A_400 : vector<16xf32>
      %add3A_402 = arith.addf %add3A_399, %exp3A_401 : vector<16xf32>
      %div3A_403 = arith.constant 1.000000e+00 : f32
      %div3A_404 = vector.broadcast %div3A_403 : f32 to vector<16xf32>
      %div3A_405 = arith.divf %div3A_404, %add3A_402 : vector<16xf32>
      %broadcast_in_dim3A_406 = arith.constant 0 : i32
      %broadcast_in_dim3A_407 = vector.broadcast %broadcast_in_dim3A_406 : i32 to vector<16xi32>
      %eq3A_408 = arith.cmpf oeq, %get3A_371, %max3A_378 : vector<16xf32>
      %jit3A_409 = arith.constant 7 : i32
      %broadcast_in_dim3A_410 = vector.broadcast %jit3A_409 : i32 to vector<16xi32>
      %select_n3A_411 = arith.select %eq3A_408, %broadcast_in_dim3A_410, %broadcast_in_dim3A_407 : vector<16xi1>, vector<16xi32>
      %eq3A_412 = arith.cmpf oeq, %get3A_368, %max3A_378 : vector<16xf32>
      %jit3A_413 = arith.constant 6 : i32
      %broadcast_in_dim3A_414 = vector.broadcast %jit3A_413 : i32 to vector<16xi32>
      %select_n3A_415 = arith.select %eq3A_412, %broadcast_in_dim3A_414, %select_n3A_411 : vector<16xi1>, vector<16xi32>
      %eq3A_416 = arith.cmpf oeq, %get3A_365, %max3A_378 : vector<16xf32>
      %jit3A_417 = arith.constant 5 : i32
      %broadcast_in_dim3A_418 = vector.broadcast %jit3A_417 : i32 to vector<16xi32>
      %select_n3A_419 = arith.select %eq3A_416, %broadcast_in_dim3A_418, %select_n3A_415 : vector<16xi1>, vector<16xi32>
      %eq3A_420 = arith.cmpf oeq, %get3A_362, %max3A_378 : vector<16xf32>
      %jit3A_421 = arith.constant 4 : i32
      %broadcast_in_dim3A_422 = vector.broadcast %jit3A_421 : i32 to vector<16xi32>
      %select_n3A_423 = arith.select %eq3A_420, %broadcast_in_dim3A_422, %select_n3A_419 : vector<16xi1>, vector<16xi32>
      %eq3A_424 = arith.cmpf oeq, %get3A_359, %max3A_378 : vector<16xf32>
      %jit3A_425 = arith.constant 3 : i32
      %broadcast_in_dim3A_426 = vector.broadcast %jit3A_425 : i32 to vector<16xi32>
      %select_n3A_427 = arith.select %eq3A_424, %broadcast_in_dim3A_426, %select_n3A_423 : vector<16xi1>, vector<16xi32>
      %eq3A_428 = arith.cmpf oeq, %get3A_356, %max3A_378 : vector<16xf32>
      %jit3A_429 = arith.constant 2 : i32
      %broadcast_in_dim3A_430 = vector.broadcast %jit3A_429 : i32 to vector<16xi32>
      %select_n3A_431 = arith.select %eq3A_428, %broadcast_in_dim3A_430, %select_n3A_427 : vector<16xi1>, vector<16xi32>
      %eq3A_432 = arith.cmpf oeq, %get3A_353, %max3A_378 : vector<16xf32>
      %jit3A_433 = arith.constant 1 : i32
      %broadcast_in_dim3A_434 = vector.broadcast %jit3A_433 : i32 to vector<16xi32>
      %select_n3A_435 = arith.select %eq3A_432, %broadcast_in_dim3A_434, %select_n3A_431 : vector<16xi1>, vector<16xi32>
      %eq3A_436 = arith.cmpf oeq, %get3A_350, %max3A_378 : vector<16xf32>
      %jit3A_437 = arith.constant 0 : i32
      %broadcast_in_dim3A_438 = vector.broadcast %jit3A_437 : i32 to vector<16xi32>
      %select_n3A_439 = arith.select %eq3A_436, %broadcast_in_dim3A_438, %select_n3A_435 : vector<16xi1>, vector<16xi32>
      %swap3A_440 = arith.constant 32 : index
      %swap3A_441 = tpu.vector_load %arg6[%swap3A_440] {strides = array<i32>} : memref<64xi32, #tpu.memory_space<vmem>>, vector<16xi32>,
      %swap3A_442 = vector.shape_cast %swap3A_441 : vector<16xi32> to vector<16xi32>
      %swap3A_443 = vector.shape_cast %select_n3A_439 : vector<16xi32> to vector<16xi32>
      tpu.vector_store %arg6[%swap3A_440], %swap3A_443 {strides = array<i32>} : memref<64xi32, #tpu.memory_space<vmem>>, vector<16xi32>,
      %eq3A_444 = arith.constant 0 : i32
      %eq3A_445 = vector.broadcast %eq3A_444 : i32 to vector<16xi32>
      %eq3A_446 = arith.cmpi eq, %select_n3A_439, %eq3A_445 : vector<16xi32>
      %jit3A_447 = arith.constant 0.000000e+00 : f32
      %broadcast_in_dim3A_448 = vector.broadcast %jit3A_447 : f32 to vector<16xf32>
      %select_n3A_449 = arith.select %eq3A_446, %div3A_405, %broadcast_in_dim3A_448 : vector<16xi1>, vector<16xf32>
      %swap3A_450 = arith.constant 32 : index
      %swap3A_451 = tpu.vector_load %arg7[%swap3A_450] {strides = array<i32>} : memref<512xf32, #tpu.memory_space<vmem>>, vector<16xf32>,
      %swap3A_452 = vector.shape_cast %swap3A_451 : vector<16xf32> to vector<16xf32>
      %swap3A_453 = vector.shape_cast %select_n3A_449 : vector<16xf32> to vector<16xf32>
      tpu.vector_store %arg7[%swap3A_450], %swap3A_453 {strides = array<i32>} : memref<512xf32, #tpu.memory_space<vmem>>, vector<16xf32>,
      %eq3A_454 = arith.constant 1 : i32
      %eq3A_455 = vector.broadcast %eq3A_454 : i32 to vector<16xi32>
      %eq3A_456 = arith.cmpi eq, %select_n3A_439, %eq3A_455 : vector<16xi32>
      %jit3A_457 = arith.constant 0.000000e+00 : f32
      %broadcast_in_dim3A_458 = vector.broadcast %jit3A_457 : f32 to vector<16xf32>
      %select_n3A_459 = arith.select %eq3A_456, %div3A_405, %broadcast_in_dim3A_458 : vector<16xi1>, vector<16xf32>
      %swap3A_460 = arith.constant 96 : index
      %swap3A_461 = tpu.vector_load %arg7[%swap3A_460] {strides = array<i32>} : memref<512xf32, #tpu.memory_space<vmem>>, vector<16xf32>,
      %swap3A_462 = vector.shape_cast %swap3A_461 : vector<16xf32> to vector<16xf32>
      %swap3A_463 = vector.shape_cast %select_n3A_459 : vector<16xf32> to vector<16xf32>
      tpu.vector_store %arg7[%swap3A_460], %swap3A_463 {strides = array<i32>} : memref<512xf32, #tpu.memory_space<vmem>>, vector<16xf32>,
      %eq3A_464 = arith.constant 2 : i32
      %eq3A_465 = vector.broadcast %eq3A_464 : i32 to vector<16xi32>
      %eq3A_466 = arith.cmpi eq, %select_n3A_439, %eq3A_465 : vector<16xi32>
      %jit3A_467 = arith.constant 0.000000e+00 : f32
      %broadcast_in_dim3A_468 = vector.broadcast %jit3A_467 : f32 to vector<16xf32>
      %select_n3A_469 = arith.select %eq3A_466, %div3A_405, %broadcast_in_dim3A_468 : vector<16xi1>, vector<16xf32>
      %swap3A_470 = arith.constant 160 : index
      %swap3A_471 = tpu.vector_load %arg7[%swap3A_470] {strides = array<i32>} : memref<512xf32, #tpu.memory_space<vmem>>, vector<16xf32>,
      %swap3A_472 = vector.shape_cast %swap3A_471 : vector<16xf32> to vector<16xf32>
      %swap3A_473 = vector.shape_cast %select_n3A_469 : vector<16xf32> to vector<16xf32>
      tpu.vector_store %arg7[%swap3A_470], %swap3A_473 {strides = array<i32>} : memref<512xf32, #tpu.memory_space<vmem>>, vector<16xf32>,
      %eq3A_474 = arith.constant 3 : i32
      %eq3A_475 = vector.broadcast %eq3A_474 : i32 to vector<16xi32>
      %eq3A_476 = arith.cmpi eq, %select_n3A_439, %eq3A_475 : vector<16xi32>
      %jit3A_477 = arith.constant 0.000000e+00 : f32
      %broadcast_in_dim3A_478 = vector.broadcast %jit3A_477 : f32 to vector<16xf32>
      %select_n3A_479 = arith.select %eq3A_476, %div3A_405, %broadcast_in_dim3A_478 : vector<16xi1>, vector<16xf32>
      %swap3A_480 = arith.constant 224 : index
      %swap3A_481 = tpu.vector_load %arg7[%swap3A_480] {strides = array<i32>} : memref<512xf32, #tpu.memory_space<vmem>>, vector<16xf32>,
      %swap3A_482 = vector.shape_cast %swap3A_481 : vector<16xf32> to vector<16xf32>
      %swap3A_483 = vector.shape_cast %select_n3A_479 : vector<16xf32> to vector<16xf32>
      tpu.vector_store %arg7[%swap3A_480], %swap3A_483 {strides = array<i32>} : memref<512xf32, #tpu.memory_space<vmem>>, vector<16xf32>,
      %eq3A_484 = arith.constant 4 : i32
      %eq3A_485 = vector.broadcast %eq3A_484 : i32 to vector<16xi32>
      %eq3A_486 = arith.cmpi eq, %select_n3A_439, %eq3A_485 : vector<16xi32>
      %jit3A_487 = arith.constant 0.000000e+00 : f32
      %broadcast_in_dim3A_488 = vector.broadcast %jit3A_487 : f32 to vector<16xf32>
      %select_n3A_489 = arith.select %eq3A_486, %div3A_405, %broadcast_in_dim3A_488 : vector<16xi1>, vector<16xf32>
      %swap3A_490 = arith.constant 288 : index
      %swap3A_491 = tpu.vector_load %arg7[%swap3A_490] {strides = array<i32>} : memref<512xf32, #tpu.memory_space<vmem>>, vector<16xf32>,
      %swap3A_492 = vector.shape_cast %swap3A_491 : vector<16xf32> to vector<16xf32>
      %swap3A_493 = vector.shape_cast %select_n3A_489 : vector<16xf32> to vector<16xf32>
      tpu.vector_store %arg7[%swap3A_490], %swap3A_493 {strides = array<i32>} : memref<512xf32, #tpu.memory_space<vmem>>, vector<16xf32>,
      %eq3A_494 = arith.constant 5 : i32
      %eq3A_495 = vector.broadcast %eq3A_494 : i32 to vector<16xi32>
      %eq3A_496 = arith.cmpi eq, %select_n3A_439, %eq3A_495 : vector<16xi32>
      %jit3A_497 = arith.constant 0.000000e+00 : f32
      %broadcast_in_dim3A_498 = vector.broadcast %jit3A_497 : f32 to vector<16xf32>
      %select_n3A_499 = arith.select %eq3A_496, %div3A_405, %broadcast_in_dim3A_498 : vector<16xi1>, vector<16xf32>
      %swap3A_500 = arith.constant 352 : index
      %swap3A_501 = tpu.vector_load %arg7[%swap3A_500] {strides = array<i32>} : memref<512xf32, #tpu.memory_space<vmem>>, vector<16xf32>,
      %swap3A_502 = vector.shape_cast %swap3A_501 : vector<16xf32> to vector<16xf32>
      %swap3A_503 = vector.shape_cast %select_n3A_499 : vector<16xf32> to vector<16xf32>
      tpu.vector_store %arg7[%swap3A_500], %swap3A_503 {strides = array<i32>} : memref<512xf32, #tpu.memory_space<vmem>>, vector<16xf32>,
      %eq3A_504 = arith.constant 6 : i32
      %eq3A_505 = vector.broadcast %eq3A_504 : i32 to vector<16xi32>
      %eq3A_506 = arith.cmpi eq, %select_n3A_439, %eq3A_505 : vector<16xi32>
      %jit3A_507 = arith.constant 0.000000e+00 : f32
      %broadcast_in_dim3A_508 = vector.broadcast %jit3A_507 : f32 to vector<16xf32>
      %select_n3A_509 = arith.select %eq3A_506, %div3A_405, %broadcast_in_dim3A_508 : vector<16xi1>, vector<16xf32>
      %swap3A_510 = arith.constant 416 : index
      %swap3A_511 = tpu.vector_load %arg7[%swap3A_510] {strides = array<i32>} : memref<512xf32, #tpu.memory_space<vmem>>, vector<16xf32>,
      %swap3A_512 = vector.shape_cast %swap3A_511 : vector<16xf32> to vector<16xf32>
      %swap3A_513 = vector.shape_cast %select_n3A_509 : vector<16xf32> to vector<16xf32>
      tpu.vector_store %arg7[%swap3A_510], %swap3A_513 {strides = array<i32>} : memref<512xf32, #tpu.memory_space<vmem>>, vector<16xf32>,
      %eq3A_514 = arith.constant 7 : i32
      %eq3A_515 = vector.broadcast %eq3A_514 : i32 to vector<16xi32>
      %eq3A_516 = arith.cmpi eq, %select_n3A_439, %eq3A_515 : vector<16xi32>
      %jit3A_517 = arith.constant 0.000000e+00 : f32
      %broadcast_in_dim3A_518 = vector.broadcast %jit3A_517 : f32 to vector<16xf32>
      %select_n3A_519 = arith.select %eq3A_516, %div3A_405, %broadcast_in_dim3A_518 : vector<16xi1>, vector<16xf32>
      %swap3A_520 = arith.constant 480 : index
      %swap3A_521 = tpu.vector_load %arg7[%swap3A_520] {strides = array<i32>} : memref<512xf32, #tpu.memory_space<vmem>>, vector<16xf32>,
      %swap3A_522 = vector.shape_cast %swap3A_521 : vector<16xf32> to vector<16xf32>
      %swap3A_523 = vector.shape_cast %select_n3A_519 : vector<16xf32> to vector<16xf32>
      tpu.vector_store %arg7[%swap3A_520], %swap3A_523 {strides = array<i32>} : memref<512xf32, #tpu.memory_space<vmem>>, vector<16xf32>,
      %get3A_524 = arith.constant 48 : index
      %get3A_525 = tpu.vector_load %arg5[%get3A_524] {strides = array<i32>} : memref<512xf32, #tpu.memory_space<vmem>>, vector<16xf32>,
      %get3A_526 = vector.shape_cast %get3A_525 : vector<16xf32> to vector<16xf32>
      %get3A_527 = arith.constant 112 : index
      %get3A_528 = tpu.vector_load %arg5[%get3A_527] {strides = array<i32>} : memref<512xf32, #tpu.memory_space<vmem>>, vector<16xf32>,
      %get3A_529 = vector.shape_cast %get3A_528 : vector<16xf32> to vector<16xf32>
      %get3A_530 = arith.constant 176 : index
      %get3A_531 = tpu.vector_load %arg5[%get3A_530] {strides = array<i32>} : memref<512xf32, #tpu.memory_space<vmem>>, vector<16xf32>,
      %get3A_532 = vector.shape_cast %get3A_531 : vector<16xf32> to vector<16xf32>
      %get3A_533 = arith.constant 240 : index
      %get3A_534 = tpu.vector_load %arg5[%get3A_533] {strides = array<i32>} : memref<512xf32, #tpu.memory_space<vmem>>, vector<16xf32>,
      %get3A_535 = vector.shape_cast %get3A_534 : vector<16xf32> to vector<16xf32>
      %get3A_536 = arith.constant 304 : index
      %get3A_537 = tpu.vector_load %arg5[%get3A_536] {strides = array<i32>} : memref<512xf32, #tpu.memory_space<vmem>>, vector<16xf32>,
      %get3A_538 = vector.shape_cast %get3A_537 : vector<16xf32> to vector<16xf32>
      %get3A_539 = arith.constant 368 : index
      %get3A_540 = tpu.vector_load %arg5[%get3A_539] {strides = array<i32>} : memref<512xf32, #tpu.memory_space<vmem>>, vector<16xf32>,
      %get3A_541 = vector.shape_cast %get3A_540 : vector<16xf32> to vector<16xf32>
      %get3A_542 = arith.constant 432 : index
      %get3A_543 = tpu.vector_load %arg5[%get3A_542] {strides = array<i32>} : memref<512xf32, #tpu.memory_space<vmem>>, vector<16xf32>,
      %get3A_544 = vector.shape_cast %get3A_543 : vector<16xf32> to vector<16xf32>
      %get3A_545 = arith.constant 496 : index
      %get3A_546 = tpu.vector_load %arg5[%get3A_545] {strides = array<i32>} : memref<512xf32, #tpu.memory_space<vmem>>, vector<16xf32>,
      %get3A_547 = vector.shape_cast %get3A_546 : vector<16xf32> to vector<16xf32>
      %max3A_548 = arith.maximumf %get3A_526, %get3A_529 : vector<16xf32>
      %max3A_549 = arith.maximumf %max3A_548, %get3A_532 : vector<16xf32>
      %max3A_550 = arith.maximumf %max3A_549, %get3A_535 : vector<16xf32>
      %max3A_551 = arith.maximumf %max3A_550, %get3A_538 : vector<16xf32>
      %max3A_552 = arith.maximumf %max3A_551, %get3A_541 : vector<16xf32>
      %max3A_553 = arith.maximumf %max3A_552, %get3A_544 : vector<16xf32>
      %max3A_554 = arith.maximumf %max3A_553, %get3A_547 : vector<16xf32>
      %sub3A_555 = arith.subf %get3A_526, %max3A_554 : vector<16xf32>
      %exp3A_556 = math.exp %sub3A_555 : vector<16xf32>
      %add3A_557 = arith.addf %broadcast_in_dim3A_4, %exp3A_556 : vector<16xf32>
      %sub3A_558 = arith.subf %get3A_529, %max3A_554 : vector<16xf32>
      %exp3A_559 = math.exp %sub3A_558 : vector<16xf32>
      %add3A_560 = arith.addf %add3A_557, %exp3A_559 : vector<16xf32>
      %sub3A_561 = arith.subf %get3A_532, %max3A_554 : vector<16xf32>
      %exp3A_562 = math.exp %sub3A_561 : vector<16xf32>
      %add3A_563 = arith.addf %add3A_560, %exp3A_562 : vector<16xf32>
      %sub3A_564 = arith.subf %get3A_535, %max3A_554 : vector<16xf32>
      %exp3A_565 = math.exp %sub3A_564 : vector<16xf32>
      %add3A_566 = arith.addf %add3A_563, %exp3A_565 : vector<16xf32>
      %sub3A_567 = arith.subf %get3A_538, %max3A_554 : vector<16xf32>
      %exp3A_568 = math.exp %sub3A_567 : vector<16xf32>
      %add3A_569 = arith.addf %add3A_566, %exp3A_568 : vector<16xf32>
      %sub3A_570 = arith.subf %get3A_541, %max3A_554 : vector<16xf32>
      %exp3A_571 = math.exp %sub3A_570 : vector<16xf32>
      %add3A_572 = arith.addf %add3A_569, %exp3A_571 : vector<16xf32>
      %sub3A_573 = arith.subf %get3A_544, %max3A_554 : vector<16xf32>
      %exp3A_574 = math.exp %sub3A_573 : vector<16xf32>
      %add3A_575 = arith.addf %add3A_572, %exp3A_574 : vector<16xf32>
      %sub3A_576 = arith.subf %get3A_547, %max3A_554 : vector<16xf32>
      %exp3A_577 = math.exp %sub3A_576 : vector<16xf32>
      %add3A_578 = arith.addf %add3A_575, %exp3A_577 : vector<16xf32>
      %div3A_579 = arith.constant 1.000000e+00 : f32
      %div3A_580 = vector.broadcast %div3A_579 : f32 to vector<16xf32>
      %div3A_581 = arith.divf %div3A_580, %add3A_578 : vector<16xf32>
      %broadcast_in_dim3A_582 = arith.constant 0 : i32
      %broadcast_in_dim3A_583 = vector.broadcast %broadcast_in_dim3A_582 : i32 to vector<16xi32>
      %eq3A_584 = arith.cmpf oeq, %get3A_547, %max3A_554 : vector<16xf32>
      %jit3A_585 = arith.constant 7 : i32
      %broadcast_in_dim3A_586 = vector.broadcast %jit3A_585 : i32 to vector<16xi32>
      %select_n3A_587 = arith.select %eq3A_584, %broadcast_in_dim3A_586, %broadcast_in_dim3A_583 : vector<16xi1>, vector<16xi32>
      %eq3A_588 = arith.cmpf oeq, %get3A_544, %max3A_554 : vector<16xf32>
      %jit3A_589 = arith.constant 6 : i32
      %broadcast_in_dim3A_590 = vector.broadcast %jit3A_589 : i32 to vector<16xi32>
      %select_n3A_591 = arith.select %eq3A_588, %broadcast_in_dim3A_590, %select_n3A_587 : vector<16xi1>, vector<16xi32>
      %eq3A_592 = arith.cmpf oeq, %get3A_541, %max3A_554 : vector<16xf32>
      %jit3A_593 = arith.constant 5 : i32
      %broadcast_in_dim3A_594 = vector.broadcast %jit3A_593 : i32 to vector<16xi32>
      %select_n3A_595 = arith.select %eq3A_592, %broadcast_in_dim3A_594, %select_n3A_591 : vector<16xi1>, vector<16xi32>
      %eq3A_596 = arith.cmpf oeq, %get3A_538, %max3A_554 : vector<16xf32>
      %jit3A_597 = arith.constant 4 : i32
      %broadcast_in_dim3A_598 = vector.broadcast %jit3A_597 : i32 to vector<16xi32>
      %select_n3A_599 = arith.select %eq3A_596, %broadcast_in_dim3A_598, %select_n3A_595 : vector<16xi1>, vector<16xi32>
      %eq3A_600 = arith.cmpf oeq, %get3A_535, %max3A_554 : vector<16xf32>
      %jit3A_601 = arith.constant 3 : i32
      %broadcast_in_dim3A_602 = vector.broadcast %jit3A_601 : i32 to vector<16xi32>
      %select_n3A_603 = arith.select %eq3A_600, %broadcast_in_dim3A_602, %select_n3A_599 : vector<16xi1>, vector<16xi32>
      %eq3A_604 = arith.cmpf oeq, %get3A_532, %max3A_554 : vector<16xf32>
      %jit3A_605 = arith.constant 2 : i32
      %broadcast_in_dim3A_606 = vector.broadcast %jit3A_605 : i32 to vector<16xi32>
      %select_n3A_607 = arith.select %eq3A_604, %broadcast_in_dim3A_606, %select_n3A_603 : vector<16xi1>, vector<16xi32>
      %eq3A_608 = arith.cmpf oeq, %get3A_529, %max3A_554 : vector<16xf32>
      %jit3A_609 = arith.constant 1 : i32
      %broadcast_in_dim3A_610 = vector.broadcast %jit3A_609 : i32 to vector<16xi32>
      %select_n3A_611 = arith.select %eq3A_608, %broadcast_in_dim3A_610, %select_n3A_607 : vector<16xi1>, vector<16xi32>
      %eq3A_612 = arith.cmpf oeq, %get3A_526, %max3A_554 : vector<16xf32>
      %jit3A_613 = arith.constant 0 : i32
      %broadcast_in_dim3A_614 = vector.broadcast %jit3A_613 : i32 to vector<16xi32>
      %select_n3A_615 = arith.select %eq3A_612, %broadcast_in_dim3A_614, %select_n3A_611 : vector<16xi1>, vector<16xi32>
      %swap3A_616 = arith.constant 48 : index
      %swap3A_617 = tpu.vector_load %arg6[%swap3A_616] {strides = array<i32>} : memref<64xi32, #tpu.memory_space<vmem>>, vector<16xi32>,
      %swap3A_618 = vector.shape_cast %swap3A_617 : vector<16xi32> to vector<16xi32>
      %swap3A_619 = vector.shape_cast %select_n3A_615 : vector<16xi32> to vector<16xi32>
      tpu.vector_store %arg6[%swap3A_616], %swap3A_619 {strides = array<i32>} : memref<64xi32, #tpu.memory_space<vmem>>, vector<16xi32>,
      %eq3A_620 = arith.constant 0 : i32
      %eq3A_621 = vector.broadcast %eq3A_620 : i32 to vector<16xi32>
      %eq3A_622 = arith.cmpi eq, %select_n3A_615, %eq3A_621 : vector<16xi32>
      %jit3A_623 = arith.constant 0.000000e+00 : f32
      %broadcast_in_dim3A_624 = vector.broadcast %jit3A_623 : f32 to vector<16xf32>
      %select_n3A_625 = arith.select %eq3A_622, %div3A_581, %broadcast_in_dim3A_624 : vector<16xi1>, vector<16xf32>
      %swap3A_626 = arith.constant 48 : index
      %swap3A_627 = tpu.vector_load %arg7[%swap3A_626] {strides = array<i32>} : memref<512xf32, #tpu.memory_space<vmem>>, vector<16xf32>,
      %swap3A_628 = vector.shape_cast %swap3A_627 : vector<16xf32> to vector<16xf32>
      %swap3A_629 = vector.shape_cast %select_n3A_625 : vector<16xf32> to vector<16xf32>
      tpu.vector_store %arg7[%swap3A_626], %swap3A_629 {strides = array<i32>} : memref<512xf32, #tpu.memory_space<vmem>>, vector<16xf32>,
      %eq3A_630 = arith.constant 1 : i32
      %eq3A_631 = vector.broadcast %eq3A_630 : i32 to vector<16xi32>
      %eq3A_632 = arith.cmpi eq, %select_n3A_615, %eq3A_631 : vector<16xi32>
      %jit3A_633 = arith.constant 0.000000e+00 : f32
      %broadcast_in_dim3A_634 = vector.broadcast %jit3A_633 : f32 to vector<16xf32>
      %select_n3A_635 = arith.select %eq3A_632, %div3A_581, %broadcast_in_dim3A_634 : vector<16xi1>, vector<16xf32>
      %swap3A_636 = arith.constant 112 : index
      %swap3A_637 = tpu.vector_load %arg7[%swap3A_636] {strides = array<i32>} : memref<512xf32, #tpu.memory_space<vmem>>, vector<16xf32>,
      %swap3A_638 = vector.shape_cast %swap3A_637 : vector<16xf32> to vector<16xf32>
      %swap3A_639 = vector.shape_cast %select_n3A_635 : vector<16xf32> to vector<16xf32>
      tpu.vector_store %arg7[%swap3A_636], %swap3A_639 {strides = array<i32>} : memref<512xf32, #tpu.memory_space<vmem>>, vector<16xf32>,
      %eq3A_640 = arith.constant 2 : i32
      %eq3A_641 = vector.broadcast %eq3A_640 : i32 to vector<16xi32>
      %eq3A_642 = arith.cmpi eq, %select_n3A_615, %eq3A_641 : vector<16xi32>
      %jit3A_643 = arith.constant 0.000000e+00 : f32
      %broadcast_in_dim3A_644 = vector.broadcast %jit3A_643 : f32 to vector<16xf32>
      %select_n3A_645 = arith.select %eq3A_642, %div3A_581, %broadcast_in_dim3A_644 : vector<16xi1>, vector<16xf32>
      %swap3A_646 = arith.constant 176 : index
      %swap3A_647 = tpu.vector_load %arg7[%swap3A_646] {strides = array<i32>} : memref<512xf32, #tpu.memory_space<vmem>>, vector<16xf32>,
      %swap3A_648 = vector.shape_cast %swap3A_647 : vector<16xf32> to vector<16xf32>
      %swap3A_649 = vector.shape_cast %select_n3A_645 : vector<16xf32> to vector<16xf32>
      tpu.vector_store %arg7[%swap3A_646], %swap3A_649 {strides = array<i32>} : memref<512xf32, #tpu.memory_space<vmem>>, vector<16xf32>,
      %eq3A_650 = arith.constant 3 : i32
      %eq3A_651 = vector.broadcast %eq3A_650 : i32 to vector<16xi32>
      %eq3A_652 = arith.cmpi eq, %select_n3A_615, %eq3A_651 : vector<16xi32>
      %jit3A_653 = arith.constant 0.000000e+00 : f32
      %broadcast_in_dim3A_654 = vector.broadcast %jit3A_653 : f32 to vector<16xf32>
      %select_n3A_655 = arith.select %eq3A_652, %div3A_581, %broadcast_in_dim3A_654 : vector<16xi1>, vector<16xf32>
      %swap3A_656 = arith.constant 240 : index
      %swap3A_657 = tpu.vector_load %arg7[%swap3A_656] {strides = array<i32>} : memref<512xf32, #tpu.memory_space<vmem>>, vector<16xf32>,
      %swap3A_658 = vector.shape_cast %swap3A_657 : vector<16xf32> to vector<16xf32>
      %swap3A_659 = vector.shape_cast %select_n3A_655 : vector<16xf32> to vector<16xf32>
      tpu.vector_store %arg7[%swap3A_656], %swap3A_659 {strides = array<i32>} : memref<512xf32, #tpu.memory_space<vmem>>, vector<16xf32>,
      %eq3A_660 = arith.constant 4 : i32
      %eq3A_661 = vector.broadcast %eq3A_660 : i32 to vector<16xi32>
      %eq3A_662 = arith.cmpi eq, %select_n3A_615, %eq3A_661 : vector<16xi32>
      %jit3A_663 = arith.constant 0.000000e+00 : f32
      %broadcast_in_dim3A_664 = vector.broadcast %jit3A_663 : f32 to vector<16xf32>
      %select_n3A_665 = arith.select %eq3A_662, %div3A_581, %broadcast_in_dim3A_664 : vector<16xi1>, vector<16xf32>
      %swap3A_666 = arith.constant 304 : index
      %swap3A_667 = tpu.vector_load %arg7[%swap3A_666] {strides = array<i32>} : memref<512xf32, #tpu.memory_space<vmem>>, vector<16xf32>,
      %swap3A_668 = vector.shape_cast %swap3A_667 : vector<16xf32> to vector<16xf32>
      %swap3A_669 = vector.shape_cast %select_n3A_665 : vector<16xf32> to vector<16xf32>
      tpu.vector_store %arg7[%swap3A_666], %swap3A_669 {strides = array<i32>} : memref<512xf32, #tpu.memory_space<vmem>>, vector<16xf32>,
      %eq3A_670 = arith.constant 5 : i32
      %eq3A_671 = vector.broadcast %eq3A_670 : i32 to vector<16xi32>
      %eq3A_672 = arith.cmpi eq, %select_n3A_615, %eq3A_671 : vector<16xi32>
      %jit3A_673 = arith.constant 0.000000e+00 : f32
      %broadcast_in_dim3A_674 = vector.broadcast %jit3A_673 : f32 to vector<16xf32>
      %select_n3A_675 = arith.select %eq3A_672, %div3A_581, %broadcast_in_dim3A_674 : vector<16xi1>, vector<16xf32>
      %swap3A_676 = arith.constant 368 : index
      %swap3A_677 = tpu.vector_load %arg7[%swap3A_676] {strides = array<i32>} : memref<512xf32, #tpu.memory_space<vmem>>, vector<16xf32>,
      %swap3A_678 = vector.shape_cast %swap3A_677 : vector<16xf32> to vector<16xf32>
      %swap3A_679 = vector.shape_cast %select_n3A_675 : vector<16xf32> to vector<16xf32>
      tpu.vector_store %arg7[%swap3A_676], %swap3A_679 {strides = array<i32>} : memref<512xf32, #tpu.memory_space<vmem>>, vector<16xf32>,
      %eq3A_680 = arith.constant 6 : i32
      %eq3A_681 = vector.broadcast %eq3A_680 : i32 to vector<16xi32>
      %eq3A_682 = arith.cmpi eq, %select_n3A_615, %eq3A_681 : vector<16xi32>
      %jit3A_683 = arith.constant 0.000000e+00 : f32
      %broadcast_in_dim3A_684 = vector.broadcast %jit3A_683 : f32 to vector<16xf32>
      %select_n3A_685 = arith.select %eq3A_682, %div3A_581, %broadcast_in_dim3A_684 : vector<16xi1>, vector<16xf32>
      %swap3A_686 = arith.constant 432 : index
      %swap3A_687 = tpu.vector_load %arg7[%swap3A_686] {strides = array<i32>} : memref<512xf32, #tpu.memory_space<vmem>>, vector<16xf32>,
      %swap3A_688 = vector.shape_cast %swap3A_687 : vector<16xf32> to vector<16xf32>
      %swap3A_689 = vector.shape_cast %select_n3A_685 : vector<16xf32> to vector<16xf32>
      tpu.vector_store %arg7[%swap3A_686], %swap3A_689 {strides = array<i32>} : memref<512xf32, #tpu.memory_space<vmem>>, vector<16xf32>,
      %eq3A_690 = arith.constant 7 : i32
      %eq3A_691 = vector.broadcast %eq3A_690 : i32 to vector<16xi32>
      %eq3A_692 = arith.cmpi eq, %select_n3A_615, %eq3A_691 : vector<16xi32>
      %jit3A_693 = arith.constant 0.000000e+00 : f32
      %broadcast_in_dim3A_694 = vector.broadcast %jit3A_693 : f32 to vector<16xf32>
      %select_n3A_695 = arith.select %eq3A_692, %div3A_581, %broadcast_in_dim3A_694 : vector<16xi1>, vector<16xf32>
      %swap3A_696 = arith.constant 496 : index
      %swap3A_697 = tpu.vector_load %arg7[%swap3A_696] {strides = array<i32>} : memref<512xf32, #tpu.memory_space<vmem>>, vector<16xf32>,
      %swap3A_698 = vector.shape_cast %swap3A_697 : vector<16xf32> to vector<16xf32>
      %swap3A_699 = vector.shape_cast %select_n3A_695 : vector<16xf32> to vector<16xf32>
      tpu.vector_store %arg7[%swap3A_696], %swap3A_699 {strides = array<i32>} : memref<512xf32, #tpu.memory_space<vmem>>, vector<16xf32>,
      "tpu.region"() ({
        %run_scoped3A = tpu.sem_alloc : memref<!tpu.dma_semaphore, #tpu.memory_space<semaphore_mem>>
        tpu.enqueue_dma source(%arg6 : memref<64xi32, #tpu.memory_space<vmem>>) target(%arg3 : memref<64xi32, #tpu.memory_space<hbm>>) target_semaphore(%run_scoped3A : memref<!tpu.dma_semaphore, #tpu.memory_space<semaphore_mem>>)
        tpu.wait_dma2 semaphore(%run_scoped3A : memref<!tpu.dma_semaphore, #tpu.memory_space<semaphore_mem>>) src(%arg6 : memref<64xi32, #tpu.memory_space<vmem>>) dst(%arg3 : memref<64xi32, #tpu.memory_space<hbm>>)
        tpu.yield
      }) : () -> ()
      "tpu.region"() ({
        %run_scoped3A = tpu.sem_alloc : memref<!tpu.dma_semaphore, #tpu.memory_space<semaphore_mem>>
        tpu.enqueue_dma source(%arg7 : memref<512xf32, #tpu.memory_space<vmem>>) target(%arg4 : memref<512xf32, #tpu.memory_space<hbm>>) target_semaphore(%run_scoped3A : memref<!tpu.dma_semaphore, #tpu.memory_space<semaphore_mem>>)
        tpu.wait_dma2 semaphore(%run_scoped3A : memref<!tpu.dma_semaphore, #tpu.memory_space<semaphore_mem>>) src(%arg7 : memref<512xf32, #tpu.memory_space<vmem>>) dst(%arg4 : memref<512xf32, #tpu.memory_space<hbm>>)
        tpu.yield
      }) : () -> ()
    } else {
    }
    return
  }
}

module attributes {stable_mosaic.version = 14 : i64} {
  func.func @_fused_kernel(%arg0: i32, %arg1: memref<4x576x768xf32, #tpu.memory_space<vmem>>, %arg2: memref<768x8xf32, #tpu.memory_space<vmem>>, %arg3: memref<1x8xf32, #tpu.memory_space<vmem>>, %arg4: memref<8x768x192xbf16, #tpu.memory_space<vmem>>, %arg5: memref<8x1x192xf32, #tpu.memory_space<vmem>>, %arg6: memref<8x192x768xbf16, #tpu.memory_space<vmem>>, %arg7: memref<8x1x768xf32, #tpu.memory_space<vmem>>, %arg8: memref<4x576x768xf32, #tpu.memory_space<vmem>>, %arg9: memref<4x1x8xf32, #tpu.memory_space<vmem>>, %arg10: memref<1x8xf32, #tpu.memory_space<vmem>>, %arg11: memref<1x8xf32, #tpu.memory_space<vmem>>) attributes {dimension_semantics = [#tpu.dimension_semantics<arbitrary>], iteration_bounds = array<i64: 16>, scalar_prefetch = 0 : i64, scratch_operands = 0 : i64, tpu.core_type = #tpu.core_type<tc>, window_params = [{transform_indices = @transform_0, window_bounds = array<i64: 4, 576, 768>}, {pipeline_mode = #tpu.pipeline_mode<synchronous>, transform_indices = @transform_1, window_bounds = array<i64: 768, 8>}, {pipeline_mode = #tpu.pipeline_mode<synchronous>, transform_indices = @transform_2, window_bounds = array<i64: 1, 8>}, {pipeline_mode = #tpu.pipeline_mode<synchronous>, transform_indices = @transform_3, window_bounds = array<i64: 8, 768, 192>}, {pipeline_mode = #tpu.pipeline_mode<synchronous>, transform_indices = @transform_4, window_bounds = array<i64: 8, 1, 192>}, {pipeline_mode = #tpu.pipeline_mode<synchronous>, transform_indices = @transform_5, window_bounds = array<i64: 8, 192, 768>}, {pipeline_mode = #tpu.pipeline_mode<synchronous>, transform_indices = @transform_6, window_bounds = array<i64: 8, 1, 768>}, {transform_indices = @transform_7, window_bounds = array<i64: 4, 576, 768>}, {transform_indices = @transform_8, window_bounds = array<i64: 4, 1, 8>}, {pipeline_mode = #tpu.pipeline_mode<synchronous>, transform_indices = @transform_9, window_bounds = array<i64: 1, 8>}, {pipeline_mode = #tpu.pipeline_mode<synchronous>, transform_indices = @transform_10, window_bounds = array<i64: 1, 8>}]} {
    %iota3A = tpu.iota {dimensions = array<i32: 1>} : vector<1x8xi32>
    %broadcast_in_dim3A = arith.constant 0.000000e+00 : f32
    %broadcast_in_dim3A_0 = vector.broadcast %broadcast_in_dim3A : f32 to vector<1x8xf32>
    %broadcast_in_dim3A_1 = arith.constant 0.000000e+00 : f32
    %broadcast_in_dim3A_2 = vector.broadcast %broadcast_in_dim3A_1 : f32 to vector<1x8xf32>
    %get3A = arith.constant 0 : index
    %get3A_3 = arith.constant 0 : index
    %get3A_4 = arith.constant 0 : index
    %get3A_5 = vector.load %arg1[%get3A, %get3A_3, %get3A_4] : memref<4x576x768xf32, #tpu.memory_space<vmem>>, vector<1x576x768xf32>
    %get3A_6 = vector.shape_cast %get3A_5 : vector<1x576x768xf32> to vector<576x768xf32>
    %reduce_sum3A = arith.constant dense<0.000000e+00> : vector<768xf32>
    %reduce_sum3A_7 = vector.multi_reduction <add>, %get3A_6, %reduce_sum3A [0] : vector<576x768xf32> to vector<768xf32>
    %broadcast_in_dim3A_8 = vector.shape_cast %reduce_sum3A_7 : vector<768xf32> to vector<1x768xf32>
    %div3A = arith.constant 5.760000e+02 : f32
    %div3A_9 = vector.broadcast %div3A : f32 to vector<1x768xf32>
    %div3A_10 = arith.divf %broadcast_in_dim3A_8, %div3A_9 : vector<1x768xf32>
    %get3A_11 = arith.constant 0 : index
    %get3A_12 = arith.constant 0 : index
    %get3A_13 = vector.load %arg2[%get3A_11, %get3A_12] : memref<768x8xf32, #tpu.memory_space<vmem>>, vector<768x8xf32>
    %dot_general3A = arith.constant dense<0.000000e+00> : vector<1x8xf32>
    %dot_general3A_14 = tpu.matmul %div3A_10, %get3A_13, %dot_general3A {dimension_numbers = #tpu.dot_dimension_numbers<[1], [0], [0], [1], [0, 0, 1, 1], [], []>, transpose_lhs_hint = false} : vector<1x768xf32>, vector<768x8xf32>, vector<1x8xf32> -> vector<1x8xf32>
    %get3A_15 = arith.constant 0 : index
    %get3A_16 = arith.constant 0 : index
    %get3A_17 = vector.load %arg3[%get3A_15, %get3A_16] : memref<1x8xf32, #tpu.memory_space<vmem>>, vector<1x8xf32>
    %add3A = arith.addf %dot_general3A_14, %get3A_17 : vector<1x8xf32>
    %reduce_max3A = arith.constant dense<0xFF800000> : vector<1xf32>
    %reduce_max3A_18 = vector.multi_reduction <maximumf>, %add3A, %reduce_max3A [1] : vector<1x8xf32> to vector<1xf32>
    %broadcast_in_dim3A_19 = vector.shape_cast %reduce_max3A_18 : vector<1xf32> to vector<1x1xf32>
    %sub3A = vector.broadcast %broadcast_in_dim3A_19 : vector<1x1xf32> to vector<1x8xf32>
    %sub3A_20 = arith.subf %add3A, %sub3A : vector<1x8xf32>
    %exp3A = math.exp %sub3A_20 : vector<1x8xf32>
    %reduce_sum3A_21 = arith.constant dense<0.000000e+00> : vector<1xf32>
    %reduce_sum3A_22 = vector.multi_reduction <add>, %exp3A, %reduce_sum3A_21 [1] : vector<1x8xf32> to vector<1xf32>
    %broadcast_in_dim3A_23 = vector.shape_cast %reduce_sum3A_22 : vector<1xf32> to vector<1x1xf32>
    %div3A_24 = vector.broadcast %broadcast_in_dim3A_23 : vector<1x1xf32> to vector<1x8xf32>
    %div3A_25 = arith.divf %exp3A, %div3A_24 : vector<1x8xf32>
    %reduce_max3A_26 = vector.shape_cast %div3A_25 : vector<1x8xf32> to vector<1x1x8xf32>
    %reduce_max3A_27 = arith.constant dense<0xFF800000> : vector<1xf32>
    %reduce_max3A_28 = vector.multi_reduction <maximumf>, %reduce_max3A_26, %reduce_max3A_27 [1, 2] : vector<1x1x8xf32> to vector<1xf32>
    %reduce_max3A_29 = vector.shape_cast %reduce_max3A_28 : vector<1xf32> to vector<1x1x1xf32>
    %reduce_max3A_30 = vector.extract %reduce_max3A_29[0, 0, 0] : f32 from vector<1x1x1xf32>
    %argmax3A = tpu.reduce_index %div3A_25 {axis = 1 : i32, kind = #tpu.reduction_kind<arg_max>} : vector<1x8xf32> -> vector<1xi32>
    %squeeze3A = vector.extract %argmax3A[0] : i32 from vector<1xi32>
    %get3A_31 = arith.index_cast %squeeze3A : i32 to index
    %get3A_32 = arith.constant 0 : index
    %get3A_33 = arith.constant 0 : index
    %get3A_34 = vector.load %arg4[%get3A_31, %get3A_32, %get3A_33] : memref<8x768x192xbf16, #tpu.memory_space<vmem>>, vector<1x768x192xbf16>
    %get3A_35 = vector.shape_cast %get3A_34 : vector<1x768x192xbf16> to vector<768x192xbf16>
    %get3A_36 = arith.index_cast %squeeze3A : i32 to index
    %get3A_37 = arith.constant 0 : index
    %get3A_38 = arith.constant 0 : index
    %get3A_39 = vector.load %arg6[%get3A_36, %get3A_37, %get3A_38] : memref<8x192x768xbf16, #tpu.memory_space<vmem>>, vector<1x192x768xbf16>
    %get3A_40 = vector.shape_cast %get3A_39 : vector<1x192x768xbf16> to vector<192x768xbf16>
    %get3A_41 = arith.index_cast %squeeze3A : i32 to index
    %get3A_42 = arith.constant 0 : index
    %get3A_43 = arith.constant 0 : index
    %get3A_44 = vector.load %arg5[%get3A_41, %get3A_42, %get3A_43] : memref<8x1x192xf32, #tpu.memory_space<vmem>>, vector<1x1x192xf32>
    %get3A_45 = vector.shape_cast %get3A_44 : vector<1x1x192xf32> to vector<1x192xf32>
    %get3A_46 = arith.index_cast %squeeze3A : i32 to index
    %get3A_47 = arith.constant 0 : index
    %get3A_48 = arith.constant 0 : index
    %get3A_49 = vector.load %arg7[%get3A_46, %get3A_47, %get3A_48] : memref<8x1x768xf32, #tpu.memory_space<vmem>>, vector<1x1x768xf32>
    %get3A_50 = vector.shape_cast %get3A_49 : vector<1x1x768xf32> to vector<1x768xf32>
    %convert_element_type3A = arith.truncf %get3A_6 : vector<576x768xf32> to vector<576x768xbf16>
    %dot_general3A_51 = arith.constant dense<0.000000e+00> : vector<576x192xf32>
    %dot_general3A_52 = tpu.matmul %convert_element_type3A, %get3A_35, %dot_general3A_51 {dimension_numbers = #tpu.dot_dimension_numbers<[1], [0], [0], [1], [0, 0, 1, 1], [], []>, transpose_lhs_hint = false} : vector<576x768xbf16>, vector<768x192xbf16>, vector<576x192xf32> -> vector<576x192xf32>
    %add3A_53 = vector.broadcast %get3A_45 : vector<1x192xf32> to vector<576x192xf32>
    %add3A_54 = arith.addf %dot_general3A_52, %add3A_53 : vector<576x192xf32>
    %convert_element_type3A_55 = arith.truncf %add3A_54 : vector<576x192xf32> to vector<576x192xbf16>
    %integer_pow3A = arith.mulf %convert_element_type3A_55, %convert_element_type3A_55 : vector<576x192xbf16>
    %integer_pow3A_56 = arith.mulf %convert_element_type3A_55, %integer_pow3A : vector<576x192xbf16>
    %mul3A = arith.constant 4.467770e-02 : bf16
    %mul3A_57 = vector.broadcast %mul3A : bf16 to vector<576x192xbf16>
    %mul3A_58 = arith.mulf %mul3A_57, %integer_pow3A_56 : vector<576x192xbf16>
    %add3A_59 = arith.addf %convert_element_type3A_55, %mul3A_58 : vector<576x192xbf16>
    %mul3A_60 = arith.constant 7.968750e-01 : bf16
    %mul3A_61 = vector.broadcast %mul3A_60 : bf16 to vector<576x192xbf16>
    %mul3A_62 = arith.mulf %mul3A_61, %add3A_59 : vector<576x192xbf16>
    %tanh3A = math.tanh %mul3A_62 : vector<576x192xbf16>
    %add3A_63 = arith.constant 1.000000e+00 : bf16
    %add3A_64 = vector.broadcast %add3A_63 : bf16 to vector<576x192xbf16>
    %add3A_65 = arith.addf %add3A_64, %tanh3A : vector<576x192xbf16>
    %mul3A_66 = arith.constant 5.000000e-01 : bf16
    %mul3A_67 = vector.broadcast %mul3A_66 : bf16 to vector<576x192xbf16>
    %mul3A_68 = arith.mulf %mul3A_67, %add3A_65 : vector<576x192xbf16>
    %mul3A_69 = arith.mulf %convert_element_type3A_55, %mul3A_68 : vector<576x192xbf16>
    %dot_general3A_70 = arith.constant dense<0.000000e+00> : vector<576x768xf32>
    %dot_general3A_71 = tpu.matmul %mul3A_69, %get3A_40, %dot_general3A_70 {dimension_numbers = #tpu.dot_dimension_numbers<[1], [0], [0], [1], [0, 0, 1, 1], [], []>, transpose_lhs_hint = false} : vector<576x192xbf16>, vector<192x768xbf16>, vector<576x768xf32> -> vector<576x768xf32>
    %add3A_72 = vector.broadcast %get3A_50 : vector<1x768xf32> to vector<576x768xf32>
    %add3A_73 = arith.addf %dot_general3A_71, %add3A_72 : vector<576x768xf32>
    %add3A_74 = arith.addf %get3A_6, %add3A_73 : vector<576x768xf32>
    %mul3A_75 = vector.broadcast %reduce_max3A_30 : f32 to vector<576x768xf32>
    %mul3A_76 = arith.mulf %mul3A_75, %add3A_74 : vector<576x768xf32>
    %swap3A = arith.constant 0 : index
    %swap3A_77 = arith.constant 0 : index
    %swap3A_78 = arith.constant 0 : index
    %swap3A_79 = vector.load %arg8[%swap3A, %swap3A_77, %swap3A_78] : memref<4x576x768xf32, #tpu.memory_space<vmem>>, vector<1x576x768xf32>
    %swap3A_80 = vector.shape_cast %swap3A_79 : vector<1x576x768xf32> to vector<576x768xf32>
    %swap3A_81 = vector.shape_cast %mul3A_76 : vector<576x768xf32> to vector<1x576x768xf32>
    tpu.vector_store %arg8[%swap3A, %swap3A_77, %swap3A_78], %swap3A_81 {strides = array<i32>} : memref<4x576x768xf32, #tpu.memory_space<vmem>>, vector<1x576x768xf32>,
    %swap3A_82 = arith.constant 0 : index
    %swap3A_83 = arith.constant 0 : index
    %swap3A_84 = arith.constant 0 : index
    %swap3A_85 = vector.load %arg9[%swap3A_82, %swap3A_83, %swap3A_84] : memref<4x1x8xf32, #tpu.memory_space<vmem>>, vector<1x1x8xf32>
    %swap3A_86 = vector.shape_cast %swap3A_85 : vector<1x1x8xf32> to vector<1x8xf32>
    %swap3A_87 = vector.shape_cast %add3A : vector<1x8xf32> to vector<1x1x8xf32>
    tpu.vector_store %arg9[%swap3A_82, %swap3A_83, %swap3A_84], %swap3A_87 {strides = array<i32>} : memref<4x1x8xf32, #tpu.memory_space<vmem>>, vector<1x1x8xf32>,
    %eq3A = vector.broadcast %squeeze3A : i32 to vector<1x8xi32>
    %eq3A_88 = arith.cmpi eq, %iota3A, %eq3A : vector<1x8xi32>
    %convert_element_type3A_89 = arith.extui %eq3A_88 : vector<1x8xi1> to vector<1x8xi32>
    %convert_element_type3A_90 = arith.sitofp %convert_element_type3A_89 : vector<1x8xi32> to vector<1x8xf32>
    %mul3A_91 = vector.broadcast %reduce_max3A_30 : f32 to vector<1x8xf32>
    %mul3A_92 = arith.mulf %convert_element_type3A_90, %mul3A_91 : vector<1x8xf32>
    %add3A_93 = arith.addf %broadcast_in_dim3A_0, %mul3A_92 : vector<1x8xf32>
    %mul3A_94 = arith.constant 1.562500e-02 : f32
    %mul3A_95 = vector.broadcast %mul3A_94 : f32 to vector<1x8xf32>
    %mul3A_96 = arith.mulf %convert_element_type3A_90, %mul3A_95 : vector<1x8xf32>
    %add3A_97 = arith.addf %broadcast_in_dim3A_2, %mul3A_96 : vector<1x8xf32>
    %get3A_98 = arith.constant 1 : index
    %get3A_99 = arith.constant 0 : index
    %get3A_100 = arith.constant 0 : index
    %get3A_101 = vector.load %arg1[%get3A_98, %get3A_99, %get3A_100] : memref<4x576x768xf32, #tpu.memory_space<vmem>>, vector<1x576x768xf32>
    %get3A_102 = vector.shape_cast %get3A_101 : vector<1x576x768xf32> to vector<576x768xf32>
    %reduce_sum3A_103 = arith.constant dense<0.000000e+00> : vector<768xf32>
    %reduce_sum3A_104 = vector.multi_reduction <add>, %get3A_102, %reduce_sum3A_103 [0] : vector<576x768xf32> to vector<768xf32>
    %broadcast_in_dim3A_105 = vector.shape_cast %reduce_sum3A_104 : vector<768xf32> to vector<1x768xf32>
    %div3A_106 = arith.constant 5.760000e+02 : f32
    %div3A_107 = vector.broadcast %div3A_106 : f32 to vector<1x768xf32>
    %div3A_108 = arith.divf %broadcast_in_dim3A_105, %div3A_107 : vector<1x768xf32>
    %get3A_109 = arith.constant 0 : index
    %get3A_110 = arith.constant 0 : index
    %get3A_111 = vector.load %arg2[%get3A_109, %get3A_110] : memref<768x8xf32, #tpu.memory_space<vmem>>, vector<768x8xf32>
    %dot_general3A_112 = arith.constant dense<0.000000e+00> : vector<1x8xf32>
    %dot_general3A_113 = tpu.matmul %div3A_108, %get3A_111, %dot_general3A_112 {dimension_numbers = #tpu.dot_dimension_numbers<[1], [0], [0], [1], [0, 0, 1, 1], [], []>, transpose_lhs_hint = false} : vector<1x768xf32>, vector<768x8xf32>, vector<1x8xf32> -> vector<1x8xf32>
    %get3A_114 = arith.constant 0 : index
    %get3A_115 = arith.constant 0 : index
    %get3A_116 = vector.load %arg3[%get3A_114, %get3A_115] : memref<1x8xf32, #tpu.memory_space<vmem>>, vector<1x8xf32>
    %add3A_117 = arith.addf %dot_general3A_113, %get3A_116 : vector<1x8xf32>
    %reduce_max3A_118 = arith.constant dense<0xFF800000> : vector<1xf32>
    %reduce_max3A_119 = vector.multi_reduction <maximumf>, %add3A_117, %reduce_max3A_118 [1] : vector<1x8xf32> to vector<1xf32>
    %broadcast_in_dim3A_120 = vector.shape_cast %reduce_max3A_119 : vector<1xf32> to vector<1x1xf32>
    %sub3A_121 = vector.broadcast %broadcast_in_dim3A_120 : vector<1x1xf32> to vector<1x8xf32>
    %sub3A_122 = arith.subf %add3A_117, %sub3A_121 : vector<1x8xf32>
    %exp3A_123 = math.exp %sub3A_122 : vector<1x8xf32>
    %reduce_sum3A_124 = arith.constant dense<0.000000e+00> : vector<1xf32>
    %reduce_sum3A_125 = vector.multi_reduction <add>, %exp3A_123, %reduce_sum3A_124 [1] : vector<1x8xf32> to vector<1xf32>
    %broadcast_in_dim3A_126 = vector.shape_cast %reduce_sum3A_125 : vector<1xf32> to vector<1x1xf32>
    %div3A_127 = vector.broadcast %broadcast_in_dim3A_126 : vector<1x1xf32> to vector<1x8xf32>
    %div3A_128 = arith.divf %exp3A_123, %div3A_127 : vector<1x8xf32>
    %reduce_max3A_129 = vector.shape_cast %div3A_128 : vector<1x8xf32> to vector<1x1x8xf32>
    %reduce_max3A_130 = arith.constant dense<0xFF800000> : vector<1xf32>
    %reduce_max3A_131 = vector.multi_reduction <maximumf>, %reduce_max3A_129, %reduce_max3A_130 [1, 2] : vector<1x1x8xf32> to vector<1xf32>
    %reduce_max3A_132 = vector.shape_cast %reduce_max3A_131 : vector<1xf32> to vector<1x1x1xf32>
    %reduce_max3A_133 = vector.extract %reduce_max3A_132[0, 0, 0] : f32 from vector<1x1x1xf32>
    %argmax3A_134 = tpu.reduce_index %div3A_128 {axis = 1 : i32, kind = #tpu.reduction_kind<arg_max>} : vector<1x8xf32> -> vector<1xi32>
    %squeeze3A_135 = vector.extract %argmax3A_134[0] : i32 from vector<1xi32>
    %get3A_136 = arith.index_cast %squeeze3A_135 : i32 to index
    %get3A_137 = arith.constant 0 : index
    %get3A_138 = arith.constant 0 : index
    %get3A_139 = vector.load %arg4[%get3A_136, %get3A_137, %get3A_138] : memref<8x768x192xbf16, #tpu.memory_space<vmem>>, vector<1x768x192xbf16>
    %get3A_140 = vector.shape_cast %get3A_139 : vector<1x768x192xbf16> to vector<768x192xbf16>
    %get3A_141 = arith.index_cast %squeeze3A_135 : i32 to index
    %get3A_142 = arith.constant 0 : index
    %get3A_143 = arith.constant 0 : index
    %get3A_144 = vector.load %arg6[%get3A_141, %get3A_142, %get3A_143] : memref<8x192x768xbf16, #tpu.memory_space<vmem>>, vector<1x192x768xbf16>
    %get3A_145 = vector.shape_cast %get3A_144 : vector<1x192x768xbf16> to vector<192x768xbf16>
    %get3A_146 = arith.index_cast %squeeze3A_135 : i32 to index
    %get3A_147 = arith.constant 0 : index
    %get3A_148 = arith.constant 0 : index
    %get3A_149 = vector.load %arg5[%get3A_146, %get3A_147, %get3A_148] : memref<8x1x192xf32, #tpu.memory_space<vmem>>, vector<1x1x192xf32>
    %get3A_150 = vector.shape_cast %get3A_149 : vector<1x1x192xf32> to vector<1x192xf32>
    %get3A_151 = arith.index_cast %squeeze3A_135 : i32 to index
    %get3A_152 = arith.constant 0 : index
    %get3A_153 = arith.constant 0 : index
    %get3A_154 = vector.load %arg7[%get3A_151, %get3A_152, %get3A_153] : memref<8x1x768xf32, #tpu.memory_space<vmem>>, vector<1x1x768xf32>
    %get3A_155 = vector.shape_cast %get3A_154 : vector<1x1x768xf32> to vector<1x768xf32>
    %convert_element_type3A_156 = arith.truncf %get3A_102 : vector<576x768xf32> to vector<576x768xbf16>
    %dot_general3A_157 = arith.constant dense<0.000000e+00> : vector<576x192xf32>
    %dot_general3A_158 = tpu.matmul %convert_element_type3A_156, %get3A_140, %dot_general3A_157 {dimension_numbers = #tpu.dot_dimension_numbers<[1], [0], [0], [1], [0, 0, 1, 1], [], []>, transpose_lhs_hint = false} : vector<576x768xbf16>, vector<768x192xbf16>, vector<576x192xf32> -> vector<576x192xf32>
    %add3A_159 = vector.broadcast %get3A_150 : vector<1x192xf32> to vector<576x192xf32>
    %add3A_160 = arith.addf %dot_general3A_158, %add3A_159 : vector<576x192xf32>
    %convert_element_type3A_161 = arith.truncf %add3A_160 : vector<576x192xf32> to vector<576x192xbf16>
    %integer_pow3A_162 = arith.mulf %convert_element_type3A_161, %convert_element_type3A_161 : vector<576x192xbf16>
    %integer_pow3A_163 = arith.mulf %convert_element_type3A_161, %integer_pow3A_162 : vector<576x192xbf16>
    %mul3A_164 = arith.constant 4.467770e-02 : bf16
    %mul3A_165 = vector.broadcast %mul3A_164 : bf16 to vector<576x192xbf16>
    %mul3A_166 = arith.mulf %mul3A_165, %integer_pow3A_163 : vector<576x192xbf16>
    %add3A_167 = arith.addf %convert_element_type3A_161, %mul3A_166 : vector<576x192xbf16>
    %mul3A_168 = arith.constant 7.968750e-01 : bf16
    %mul3A_169 = vector.broadcast %mul3A_168 : bf16 to vector<576x192xbf16>
    %mul3A_170 = arith.mulf %mul3A_169, %add3A_167 : vector<576x192xbf16>
    %tanh3A_171 = math.tanh %mul3A_170 : vector<576x192xbf16>
    %add3A_172 = arith.constant 1.000000e+00 : bf16
    %add3A_173 = vector.broadcast %add3A_172 : bf16 to vector<576x192xbf16>
    %add3A_174 = arith.addf %add3A_173, %tanh3A_171 : vector<576x192xbf16>
    %mul3A_175 = arith.constant 5.000000e-01 : bf16
    %mul3A_176 = vector.broadcast %mul3A_175 : bf16 to vector<576x192xbf16>
    %mul3A_177 = arith.mulf %mul3A_176, %add3A_174 : vector<576x192xbf16>
    %mul3A_178 = arith.mulf %convert_element_type3A_161, %mul3A_177 : vector<576x192xbf16>
    %dot_general3A_179 = arith.constant dense<0.000000e+00> : vector<576x768xf32>
    %dot_general3A_180 = tpu.matmul %mul3A_178, %get3A_145, %dot_general3A_179 {dimension_numbers = #tpu.dot_dimension_numbers<[1], [0], [0], [1], [0, 0, 1, 1], [], []>, transpose_lhs_hint = false} : vector<576x192xbf16>, vector<192x768xbf16>, vector<576x768xf32> -> vector<576x768xf32>
    %add3A_181 = vector.broadcast %get3A_155 : vector<1x768xf32> to vector<576x768xf32>
    %add3A_182 = arith.addf %dot_general3A_180, %add3A_181 : vector<576x768xf32>
    %add3A_183 = arith.addf %get3A_102, %add3A_182 : vector<576x768xf32>
    %mul3A_184 = vector.broadcast %reduce_max3A_133 : f32 to vector<576x768xf32>
    %mul3A_185 = arith.mulf %mul3A_184, %add3A_183 : vector<576x768xf32>
    %swap3A_186 = arith.constant 1 : index
    %swap3A_187 = arith.constant 0 : index
    %swap3A_188 = arith.constant 0 : index
    %swap3A_189 = vector.load %arg8[%swap3A_186, %swap3A_187, %swap3A_188] : memref<4x576x768xf32, #tpu.memory_space<vmem>>, vector<1x576x768xf32>
    %swap3A_190 = vector.shape_cast %swap3A_189 : vector<1x576x768xf32> to vector<576x768xf32>
    %swap3A_191 = vector.shape_cast %mul3A_185 : vector<576x768xf32> to vector<1x576x768xf32>
    tpu.vector_store %arg8[%swap3A_186, %swap3A_187, %swap3A_188], %swap3A_191 {strides = array<i32>} : memref<4x576x768xf32, #tpu.memory_space<vmem>>, vector<1x576x768xf32>,
    %swap3A_192 = arith.constant 1 : index
    %swap3A_193 = arith.constant 0 : index
    %swap3A_194 = arith.constant 0 : index
    %swap3A_195 = vector.load %arg9[%swap3A_192, %swap3A_193, %swap3A_194] : memref<4x1x8xf32, #tpu.memory_space<vmem>>, vector<1x1x8xf32>
    %swap3A_196 = vector.shape_cast %swap3A_195 : vector<1x1x8xf32> to vector<1x8xf32>
    %swap3A_197 = vector.shape_cast %add3A_117 : vector<1x8xf32> to vector<1x1x8xf32>
    tpu.vector_store %arg9[%swap3A_192, %swap3A_193, %swap3A_194], %swap3A_197 {strides = array<i32>} : memref<4x1x8xf32, #tpu.memory_space<vmem>>, vector<1x1x8xf32>,
    %eq3A_198 = vector.broadcast %squeeze3A_135 : i32 to vector<1x8xi32>
    %eq3A_199 = arith.cmpi eq, %iota3A, %eq3A_198 : vector<1x8xi32>
    %convert_element_type3A_200 = arith.extui %eq3A_199 : vector<1x8xi1> to vector<1x8xi32>
    %convert_element_type3A_201 = arith.sitofp %convert_element_type3A_200 : vector<1x8xi32> to vector<1x8xf32>
    %mul3A_202 = vector.broadcast %reduce_max3A_133 : f32 to vector<1x8xf32>
    %mul3A_203 = arith.mulf %convert_element_type3A_201, %mul3A_202 : vector<1x8xf32>
    %add3A_204 = arith.addf %add3A_93, %mul3A_203 : vector<1x8xf32>
    %mul3A_205 = arith.constant 1.562500e-02 : f32
    %mul3A_206 = vector.broadcast %mul3A_205 : f32 to vector<1x8xf32>
    %mul3A_207 = arith.mulf %convert_element_type3A_201, %mul3A_206 : vector<1x8xf32>
    %add3A_208 = arith.addf %add3A_97, %mul3A_207 : vector<1x8xf32>
    %get3A_209 = arith.constant 2 : index
    %get3A_210 = arith.constant 0 : index
    %get3A_211 = arith.constant 0 : index
    %get3A_212 = vector.load %arg1[%get3A_209, %get3A_210, %get3A_211] : memref<4x576x768xf32, #tpu.memory_space<vmem>>, vector<1x576x768xf32>
    %get3A_213 = vector.shape_cast %get3A_212 : vector<1x576x768xf32> to vector<576x768xf32>
    %reduce_sum3A_214 = arith.constant dense<0.000000e+00> : vector<768xf32>
    %reduce_sum3A_215 = vector.multi_reduction <add>, %get3A_213, %reduce_sum3A_214 [0] : vector<576x768xf32> to vector<768xf32>
    %broadcast_in_dim3A_216 = vector.shape_cast %reduce_sum3A_215 : vector<768xf32> to vector<1x768xf32>
    %div3A_217 = arith.constant 5.760000e+02 : f32
    %div3A_218 = vector.broadcast %div3A_217 : f32 to vector<1x768xf32>
    %div3A_219 = arith.divf %broadcast_in_dim3A_216, %div3A_218 : vector<1x768xf32>
    %get3A_220 = arith.constant 0 : index
    %get3A_221 = arith.constant 0 : index
    %get3A_222 = vector.load %arg2[%get3A_220, %get3A_221] : memref<768x8xf32, #tpu.memory_space<vmem>>, vector<768x8xf32>
    %dot_general3A_223 = arith.constant dense<0.000000e+00> : vector<1x8xf32>
    %dot_general3A_224 = tpu.matmul %div3A_219, %get3A_222, %dot_general3A_223 {dimension_numbers = #tpu.dot_dimension_numbers<[1], [0], [0], [1], [0, 0, 1, 1], [], []>, transpose_lhs_hint = false} : vector<1x768xf32>, vector<768x8xf32>, vector<1x8xf32> -> vector<1x8xf32>
    %get3A_225 = arith.constant 0 : index
    %get3A_226 = arith.constant 0 : index
    %get3A_227 = vector.load %arg3[%get3A_225, %get3A_226] : memref<1x8xf32, #tpu.memory_space<vmem>>, vector<1x8xf32>
    %add3A_228 = arith.addf %dot_general3A_224, %get3A_227 : vector<1x8xf32>
    %reduce_max3A_229 = arith.constant dense<0xFF800000> : vector<1xf32>
    %reduce_max3A_230 = vector.multi_reduction <maximumf>, %add3A_228, %reduce_max3A_229 [1] : vector<1x8xf32> to vector<1xf32>
    %broadcast_in_dim3A_231 = vector.shape_cast %reduce_max3A_230 : vector<1xf32> to vector<1x1xf32>
    %sub3A_232 = vector.broadcast %broadcast_in_dim3A_231 : vector<1x1xf32> to vector<1x8xf32>
    %sub3A_233 = arith.subf %add3A_228, %sub3A_232 : vector<1x8xf32>
    %exp3A_234 = math.exp %sub3A_233 : vector<1x8xf32>
    %reduce_sum3A_235 = arith.constant dense<0.000000e+00> : vector<1xf32>
    %reduce_sum3A_236 = vector.multi_reduction <add>, %exp3A_234, %reduce_sum3A_235 [1] : vector<1x8xf32> to vector<1xf32>
    %broadcast_in_dim3A_237 = vector.shape_cast %reduce_sum3A_236 : vector<1xf32> to vector<1x1xf32>
    %div3A_238 = vector.broadcast %broadcast_in_dim3A_237 : vector<1x1xf32> to vector<1x8xf32>
    %div3A_239 = arith.divf %exp3A_234, %div3A_238 : vector<1x8xf32>
    %reduce_max3A_240 = vector.shape_cast %div3A_239 : vector<1x8xf32> to vector<1x1x8xf32>
    %reduce_max3A_241 = arith.constant dense<0xFF800000> : vector<1xf32>
    %reduce_max3A_242 = vector.multi_reduction <maximumf>, %reduce_max3A_240, %reduce_max3A_241 [1, 2] : vector<1x1x8xf32> to vector<1xf32>
    %reduce_max3A_243 = vector.shape_cast %reduce_max3A_242 : vector<1xf32> to vector<1x1x1xf32>
    %reduce_max3A_244 = vector.extract %reduce_max3A_243[0, 0, 0] : f32 from vector<1x1x1xf32>
    %argmax3A_245 = tpu.reduce_index %div3A_239 {axis = 1 : i32, kind = #tpu.reduction_kind<arg_max>} : vector<1x8xf32> -> vector<1xi32>
    %squeeze3A_246 = vector.extract %argmax3A_245[0] : i32 from vector<1xi32>
    %get3A_247 = arith.index_cast %squeeze3A_246 : i32 to index
    %get3A_248 = arith.constant 0 : index
    %get3A_249 = arith.constant 0 : index
    %get3A_250 = vector.load %arg4[%get3A_247, %get3A_248, %get3A_249] : memref<8x768x192xbf16, #tpu.memory_space<vmem>>, vector<1x768x192xbf16>
    %get3A_251 = vector.shape_cast %get3A_250 : vector<1x768x192xbf16> to vector<768x192xbf16>
    %get3A_252 = arith.index_cast %squeeze3A_246 : i32 to index
    %get3A_253 = arith.constant 0 : index
    %get3A_254 = arith.constant 0 : index
    %get3A_255 = vector.load %arg6[%get3A_252, %get3A_253, %get3A_254] : memref<8x192x768xbf16, #tpu.memory_space<vmem>>, vector<1x192x768xbf16>
    %get3A_256 = vector.shape_cast %get3A_255 : vector<1x192x768xbf16> to vector<192x768xbf16>
    %get3A_257 = arith.index_cast %squeeze3A_246 : i32 to index
    %get3A_258 = arith.constant 0 : index
    %get3A_259 = arith.constant 0 : index
    %get3A_260 = vector.load %arg5[%get3A_257, %get3A_258, %get3A_259] : memref<8x1x192xf32, #tpu.memory_space<vmem>>, vector<1x1x192xf32>
    %get3A_261 = vector.shape_cast %get3A_260 : vector<1x1x192xf32> to vector<1x192xf32>
    %get3A_262 = arith.index_cast %squeeze3A_246 : i32 to index
    %get3A_263 = arith.constant 0 : index
    %get3A_264 = arith.constant 0 : index
    %get3A_265 = vector.load %arg7[%get3A_262, %get3A_263, %get3A_264] : memref<8x1x768xf32, #tpu.memory_space<vmem>>, vector<1x1x768xf32>
    %get3A_266 = vector.shape_cast %get3A_265 : vector<1x1x768xf32> to vector<1x768xf32>
    %convert_element_type3A_267 = arith.truncf %get3A_213 : vector<576x768xf32> to vector<576x768xbf16>
    %dot_general3A_268 = arith.constant dense<0.000000e+00> : vector<576x192xf32>
    %dot_general3A_269 = tpu.matmul %convert_element_type3A_267, %get3A_251, %dot_general3A_268 {dimension_numbers = #tpu.dot_dimension_numbers<[1], [0], [0], [1], [0, 0, 1, 1], [], []>, transpose_lhs_hint = false} : vector<576x768xbf16>, vector<768x192xbf16>, vector<576x192xf32> -> vector<576x192xf32>
    %add3A_270 = vector.broadcast %get3A_261 : vector<1x192xf32> to vector<576x192xf32>
    %add3A_271 = arith.addf %dot_general3A_269, %add3A_270 : vector<576x192xf32>
    %convert_element_type3A_272 = arith.truncf %add3A_271 : vector<576x192xf32> to vector<576x192xbf16>
    %integer_pow3A_273 = arith.mulf %convert_element_type3A_272, %convert_element_type3A_272 : vector<576x192xbf16>
    %integer_pow3A_274 = arith.mulf %convert_element_type3A_272, %integer_pow3A_273 : vector<576x192xbf16>
    %mul3A_275 = arith.constant 4.467770e-02 : bf16
    %mul3A_276 = vector.broadcast %mul3A_275 : bf16 to vector<576x192xbf16>
    %mul3A_277 = arith.mulf %mul3A_276, %integer_pow3A_274 : vector<576x192xbf16>
    %add3A_278 = arith.addf %convert_element_type3A_272, %mul3A_277 : vector<576x192xbf16>
    %mul3A_279 = arith.constant 7.968750e-01 : bf16
    %mul3A_280 = vector.broadcast %mul3A_279 : bf16 to vector<576x192xbf16>
    %mul3A_281 = arith.mulf %mul3A_280, %add3A_278 : vector<576x192xbf16>
    %tanh3A_282 = math.tanh %mul3A_281 : vector<576x192xbf16>
    %add3A_283 = arith.constant 1.000000e+00 : bf16
    %add3A_284 = vector.broadcast %add3A_283 : bf16 to vector<576x192xbf16>
    %add3A_285 = arith.addf %add3A_284, %tanh3A_282 : vector<576x192xbf16>
    %mul3A_286 = arith.constant 5.000000e-01 : bf16
    %mul3A_287 = vector.broadcast %mul3A_286 : bf16 to vector<576x192xbf16>
    %mul3A_288 = arith.mulf %mul3A_287, %add3A_285 : vector<576x192xbf16>
    %mul3A_289 = arith.mulf %convert_element_type3A_272, %mul3A_288 : vector<576x192xbf16>
    %dot_general3A_290 = arith.constant dense<0.000000e+00> : vector<576x768xf32>
    %dot_general3A_291 = tpu.matmul %mul3A_289, %get3A_256, %dot_general3A_290 {dimension_numbers = #tpu.dot_dimension_numbers<[1], [0], [0], [1], [0, 0, 1, 1], [], []>, transpose_lhs_hint = false} : vector<576x192xbf16>, vector<192x768xbf16>, vector<576x768xf32> -> vector<576x768xf32>
    %add3A_292 = vector.broadcast %get3A_266 : vector<1x768xf32> to vector<576x768xf32>
    %add3A_293 = arith.addf %dot_general3A_291, %add3A_292 : vector<576x768xf32>
    %add3A_294 = arith.addf %get3A_213, %add3A_293 : vector<576x768xf32>
    %mul3A_295 = vector.broadcast %reduce_max3A_244 : f32 to vector<576x768xf32>
    %mul3A_296 = arith.mulf %mul3A_295, %add3A_294 : vector<576x768xf32>
    %swap3A_297 = arith.constant 2 : index
    %swap3A_298 = arith.constant 0 : index
    %swap3A_299 = arith.constant 0 : index
    %swap3A_300 = vector.load %arg8[%swap3A_297, %swap3A_298, %swap3A_299] : memref<4x576x768xf32, #tpu.memory_space<vmem>>, vector<1x576x768xf32>
    %swap3A_301 = vector.shape_cast %swap3A_300 : vector<1x576x768xf32> to vector<576x768xf32>
    %swap3A_302 = vector.shape_cast %mul3A_296 : vector<576x768xf32> to vector<1x576x768xf32>
    tpu.vector_store %arg8[%swap3A_297, %swap3A_298, %swap3A_299], %swap3A_302 {strides = array<i32>} : memref<4x576x768xf32, #tpu.memory_space<vmem>>, vector<1x576x768xf32>,
    %swap3A_303 = arith.constant 2 : index
    %swap3A_304 = arith.constant 0 : index
    %swap3A_305 = arith.constant 0 : index
    %swap3A_306 = vector.load %arg9[%swap3A_303, %swap3A_304, %swap3A_305] : memref<4x1x8xf32, #tpu.memory_space<vmem>>, vector<1x1x8xf32>
    %swap3A_307 = vector.shape_cast %swap3A_306 : vector<1x1x8xf32> to vector<1x8xf32>
    %swap3A_308 = vector.shape_cast %add3A_228 : vector<1x8xf32> to vector<1x1x8xf32>
    tpu.vector_store %arg9[%swap3A_303, %swap3A_304, %swap3A_305], %swap3A_308 {strides = array<i32>} : memref<4x1x8xf32, #tpu.memory_space<vmem>>, vector<1x1x8xf32>,
    %eq3A_309 = vector.broadcast %squeeze3A_246 : i32 to vector<1x8xi32>
    %eq3A_310 = arith.cmpi eq, %iota3A, %eq3A_309 : vector<1x8xi32>
    %convert_element_type3A_311 = arith.extui %eq3A_310 : vector<1x8xi1> to vector<1x8xi32>
    %convert_element_type3A_312 = arith.sitofp %convert_element_type3A_311 : vector<1x8xi32> to vector<1x8xf32>
    %mul3A_313 = vector.broadcast %reduce_max3A_244 : f32 to vector<1x8xf32>
    %mul3A_314 = arith.mulf %convert_element_type3A_312, %mul3A_313 : vector<1x8xf32>
    %add3A_315 = arith.addf %add3A_204, %mul3A_314 : vector<1x8xf32>
    %mul3A_316 = arith.constant 1.562500e-02 : f32
    %mul3A_317 = vector.broadcast %mul3A_316 : f32 to vector<1x8xf32>
    %mul3A_318 = arith.mulf %convert_element_type3A_312, %mul3A_317 : vector<1x8xf32>
    %add3A_319 = arith.addf %add3A_208, %mul3A_318 : vector<1x8xf32>
    %get3A_320 = arith.constant 3 : index
    %get3A_321 = arith.constant 0 : index
    %get3A_322 = arith.constant 0 : index
    %get3A_323 = vector.load %arg1[%get3A_320, %get3A_321, %get3A_322] : memref<4x576x768xf32, #tpu.memory_space<vmem>>, vector<1x576x768xf32>
    %get3A_324 = vector.shape_cast %get3A_323 : vector<1x576x768xf32> to vector<576x768xf32>
    %reduce_sum3A_325 = arith.constant dense<0.000000e+00> : vector<768xf32>
    %reduce_sum3A_326 = vector.multi_reduction <add>, %get3A_324, %reduce_sum3A_325 [0] : vector<576x768xf32> to vector<768xf32>
    %broadcast_in_dim3A_327 = vector.shape_cast %reduce_sum3A_326 : vector<768xf32> to vector<1x768xf32>
    %div3A_328 = arith.constant 5.760000e+02 : f32
    %div3A_329 = vector.broadcast %div3A_328 : f32 to vector<1x768xf32>
    %div3A_330 = arith.divf %broadcast_in_dim3A_327, %div3A_329 : vector<1x768xf32>
    %get3A_331 = arith.constant 0 : index
    %get3A_332 = arith.constant 0 : index
    %get3A_333 = vector.load %arg2[%get3A_331, %get3A_332] : memref<768x8xf32, #tpu.memory_space<vmem>>, vector<768x8xf32>
    %dot_general3A_334 = arith.constant dense<0.000000e+00> : vector<1x8xf32>
    %dot_general3A_335 = tpu.matmul %div3A_330, %get3A_333, %dot_general3A_334 {dimension_numbers = #tpu.dot_dimension_numbers<[1], [0], [0], [1], [0, 0, 1, 1], [], []>, transpose_lhs_hint = false} : vector<1x768xf32>, vector<768x8xf32>, vector<1x8xf32> -> vector<1x8xf32>
    %get3A_336 = arith.constant 0 : index
    %get3A_337 = arith.constant 0 : index
    %get3A_338 = vector.load %arg3[%get3A_336, %get3A_337] : memref<1x8xf32, #tpu.memory_space<vmem>>, vector<1x8xf32>
    %add3A_339 = arith.addf %dot_general3A_335, %get3A_338 : vector<1x8xf32>
    %reduce_max3A_340 = arith.constant dense<0xFF800000> : vector<1xf32>
    %reduce_max3A_341 = vector.multi_reduction <maximumf>, %add3A_339, %reduce_max3A_340 [1] : vector<1x8xf32> to vector<1xf32>
    %broadcast_in_dim3A_342 = vector.shape_cast %reduce_max3A_341 : vector<1xf32> to vector<1x1xf32>
    %sub3A_343 = vector.broadcast %broadcast_in_dim3A_342 : vector<1x1xf32> to vector<1x8xf32>
    %sub3A_344 = arith.subf %add3A_339, %sub3A_343 : vector<1x8xf32>
    %exp3A_345 = math.exp %sub3A_344 : vector<1x8xf32>
    %reduce_sum3A_346 = arith.constant dense<0.000000e+00> : vector<1xf32>
    %reduce_sum3A_347 = vector.multi_reduction <add>, %exp3A_345, %reduce_sum3A_346 [1] : vector<1x8xf32> to vector<1xf32>
    %broadcast_in_dim3A_348 = vector.shape_cast %reduce_sum3A_347 : vector<1xf32> to vector<1x1xf32>
    %div3A_349 = vector.broadcast %broadcast_in_dim3A_348 : vector<1x1xf32> to vector<1x8xf32>
    %div3A_350 = arith.divf %exp3A_345, %div3A_349 : vector<1x8xf32>
    %reduce_max3A_351 = vector.shape_cast %div3A_350 : vector<1x8xf32> to vector<1x1x8xf32>
    %reduce_max3A_352 = arith.constant dense<0xFF800000> : vector<1xf32>
    %reduce_max3A_353 = vector.multi_reduction <maximumf>, %reduce_max3A_351, %reduce_max3A_352 [1, 2] : vector<1x1x8xf32> to vector<1xf32>
    %reduce_max3A_354 = vector.shape_cast %reduce_max3A_353 : vector<1xf32> to vector<1x1x1xf32>
    %reduce_max3A_355 = vector.extract %reduce_max3A_354[0, 0, 0] : f32 from vector<1x1x1xf32>
    %argmax3A_356 = tpu.reduce_index %div3A_350 {axis = 1 : i32, kind = #tpu.reduction_kind<arg_max>} : vector<1x8xf32> -> vector<1xi32>
    %squeeze3A_357 = vector.extract %argmax3A_356[0] : i32 from vector<1xi32>
    %get3A_358 = arith.index_cast %squeeze3A_357 : i32 to index
    %get3A_359 = arith.constant 0 : index
    %get3A_360 = arith.constant 0 : index
    %get3A_361 = vector.load %arg4[%get3A_358, %get3A_359, %get3A_360] : memref<8x768x192xbf16, #tpu.memory_space<vmem>>, vector<1x768x192xbf16>
    %get3A_362 = vector.shape_cast %get3A_361 : vector<1x768x192xbf16> to vector<768x192xbf16>
    %get3A_363 = arith.index_cast %squeeze3A_357 : i32 to index
    %get3A_364 = arith.constant 0 : index
    %get3A_365 = arith.constant 0 : index
    %get3A_366 = vector.load %arg6[%get3A_363, %get3A_364, %get3A_365] : memref<8x192x768xbf16, #tpu.memory_space<vmem>>, vector<1x192x768xbf16>
    %get3A_367 = vector.shape_cast %get3A_366 : vector<1x192x768xbf16> to vector<192x768xbf16>
    %get3A_368 = arith.index_cast %squeeze3A_357 : i32 to index
    %get3A_369 = arith.constant 0 : index
    %get3A_370 = arith.constant 0 : index
    %get3A_371 = vector.load %arg5[%get3A_368, %get3A_369, %get3A_370] : memref<8x1x192xf32, #tpu.memory_space<vmem>>, vector<1x1x192xf32>
    %get3A_372 = vector.shape_cast %get3A_371 : vector<1x1x192xf32> to vector<1x192xf32>
    %get3A_373 = arith.index_cast %squeeze3A_357 : i32 to index
    %get3A_374 = arith.constant 0 : index
    %get3A_375 = arith.constant 0 : index
    %get3A_376 = vector.load %arg7[%get3A_373, %get3A_374, %get3A_375] : memref<8x1x768xf32, #tpu.memory_space<vmem>>, vector<1x1x768xf32>
    %get3A_377 = vector.shape_cast %get3A_376 : vector<1x1x768xf32> to vector<1x768xf32>
    %convert_element_type3A_378 = arith.truncf %get3A_324 : vector<576x768xf32> to vector<576x768xbf16>
    %dot_general3A_379 = arith.constant dense<0.000000e+00> : vector<576x192xf32>
    %dot_general3A_380 = tpu.matmul %convert_element_type3A_378, %get3A_362, %dot_general3A_379 {dimension_numbers = #tpu.dot_dimension_numbers<[1], [0], [0], [1], [0, 0, 1, 1], [], []>, transpose_lhs_hint = false} : vector<576x768xbf16>, vector<768x192xbf16>, vector<576x192xf32> -> vector<576x192xf32>
    %add3A_381 = vector.broadcast %get3A_372 : vector<1x192xf32> to vector<576x192xf32>
    %add3A_382 = arith.addf %dot_general3A_380, %add3A_381 : vector<576x192xf32>
    %convert_element_type3A_383 = arith.truncf %add3A_382 : vector<576x192xf32> to vector<576x192xbf16>
    %integer_pow3A_384 = arith.mulf %convert_element_type3A_383, %convert_element_type3A_383 : vector<576x192xbf16>
    %integer_pow3A_385 = arith.mulf %convert_element_type3A_383, %integer_pow3A_384 : vector<576x192xbf16>
    %mul3A_386 = arith.constant 4.467770e-02 : bf16
    %mul3A_387 = vector.broadcast %mul3A_386 : bf16 to vector<576x192xbf16>
    %mul3A_388 = arith.mulf %mul3A_387, %integer_pow3A_385 : vector<576x192xbf16>
    %add3A_389 = arith.addf %convert_element_type3A_383, %mul3A_388 : vector<576x192xbf16>
    %mul3A_390 = arith.constant 7.968750e-01 : bf16
    %mul3A_391 = vector.broadcast %mul3A_390 : bf16 to vector<576x192xbf16>
    %mul3A_392 = arith.mulf %mul3A_391, %add3A_389 : vector<576x192xbf16>
    %tanh3A_393 = math.tanh %mul3A_392 : vector<576x192xbf16>
    %add3A_394 = arith.constant 1.000000e+00 : bf16
    %add3A_395 = vector.broadcast %add3A_394 : bf16 to vector<576x192xbf16>
    %add3A_396 = arith.addf %add3A_395, %tanh3A_393 : vector<576x192xbf16>
    %mul3A_397 = arith.constant 5.000000e-01 : bf16
    %mul3A_398 = vector.broadcast %mul3A_397 : bf16 to vector<576x192xbf16>
    %mul3A_399 = arith.mulf %mul3A_398, %add3A_396 : vector<576x192xbf16>
    %mul3A_400 = arith.mulf %convert_element_type3A_383, %mul3A_399 : vector<576x192xbf16>
    %dot_general3A_401 = arith.constant dense<0.000000e+00> : vector<576x768xf32>
    %dot_general3A_402 = tpu.matmul %mul3A_400, %get3A_367, %dot_general3A_401 {dimension_numbers = #tpu.dot_dimension_numbers<[1], [0], [0], [1], [0, 0, 1, 1], [], []>, transpose_lhs_hint = false} : vector<576x192xbf16>, vector<192x768xbf16>, vector<576x768xf32> -> vector<576x768xf32>
    %add3A_403 = vector.broadcast %get3A_377 : vector<1x768xf32> to vector<576x768xf32>
    %add3A_404 = arith.addf %dot_general3A_402, %add3A_403 : vector<576x768xf32>
    %add3A_405 = arith.addf %get3A_324, %add3A_404 : vector<576x768xf32>
    %mul3A_406 = vector.broadcast %reduce_max3A_355 : f32 to vector<576x768xf32>
    %mul3A_407 = arith.mulf %mul3A_406, %add3A_405 : vector<576x768xf32>
    %swap3A_408 = arith.constant 3 : index
    %swap3A_409 = arith.constant 0 : index
    %swap3A_410 = arith.constant 0 : index
    %swap3A_411 = vector.load %arg8[%swap3A_408, %swap3A_409, %swap3A_410] : memref<4x576x768xf32, #tpu.memory_space<vmem>>, vector<1x576x768xf32>
    %swap3A_412 = vector.shape_cast %swap3A_411 : vector<1x576x768xf32> to vector<576x768xf32>
    %swap3A_413 = vector.shape_cast %mul3A_407 : vector<576x768xf32> to vector<1x576x768xf32>
    tpu.vector_store %arg8[%swap3A_408, %swap3A_409, %swap3A_410], %swap3A_413 {strides = array<i32>} : memref<4x576x768xf32, #tpu.memory_space<vmem>>, vector<1x576x768xf32>,
    %swap3A_414 = arith.constant 3 : index
    %swap3A_415 = arith.constant 0 : index
    %swap3A_416 = arith.constant 0 : index
    %swap3A_417 = vector.load %arg9[%swap3A_414, %swap3A_415, %swap3A_416] : memref<4x1x8xf32, #tpu.memory_space<vmem>>, vector<1x1x8xf32>
    %swap3A_418 = vector.shape_cast %swap3A_417 : vector<1x1x8xf32> to vector<1x8xf32>
    %swap3A_419 = vector.shape_cast %add3A_339 : vector<1x8xf32> to vector<1x1x8xf32>
    tpu.vector_store %arg9[%swap3A_414, %swap3A_415, %swap3A_416], %swap3A_419 {strides = array<i32>} : memref<4x1x8xf32, #tpu.memory_space<vmem>>, vector<1x1x8xf32>,
    %eq3A_420 = vector.broadcast %squeeze3A_357 : i32 to vector<1x8xi32>
    %eq3A_421 = arith.cmpi eq, %iota3A, %eq3A_420 : vector<1x8xi32>
    %convert_element_type3A_422 = arith.extui %eq3A_421 : vector<1x8xi1> to vector<1x8xi32>
    %convert_element_type3A_423 = arith.sitofp %convert_element_type3A_422 : vector<1x8xi32> to vector<1x8xf32>
    %mul3A_424 = vector.broadcast %reduce_max3A_355 : f32 to vector<1x8xf32>
    %mul3A_425 = arith.mulf %convert_element_type3A_423, %mul3A_424 : vector<1x8xf32>
    %add3A_426 = arith.addf %add3A_315, %mul3A_425 : vector<1x8xf32>
    %mul3A_427 = arith.constant 1.562500e-02 : f32
    %mul3A_428 = vector.broadcast %mul3A_427 : f32 to vector<1x8xf32>
    %mul3A_429 = arith.mulf %convert_element_type3A_423, %mul3A_428 : vector<1x8xf32>
    %add3A_430 = arith.addf %add3A_319, %mul3A_429 : vector<1x8xf32>
    %eq3A_431 = arith.constant 0 : i32
    %eq3A_432 = arith.cmpi eq, %arg0, %eq3A_431 : i32
    %convert_element_type3A_433 = arith.extui %eq3A_432 : i1 to i32
    %cond3A = arith.constant 0 : i32
    %cond3A_434 = arith.cmpi ne, %convert_element_type3A_433, %cond3A : i32
    scf.if %cond3A_434 {
      %broadcast_in_dim3A_449 = arith.constant 0.000000e+00 : f32
      %broadcast_in_dim3A_450 = vector.broadcast %broadcast_in_dim3A_449 : f32 to vector<1x8xf32>
      %swap3A_451 = arith.constant 0 : index
      %swap3A_452 = arith.constant 0 : index
      %swap3A_453 = vector.load %arg10[%swap3A_451, %swap3A_452] : memref<1x8xf32, #tpu.memory_space<vmem>>, vector<1x8xf32>
      tpu.vector_store %arg10[%swap3A_451, %swap3A_452], %broadcast_in_dim3A_450 {strides = array<i32>} : memref<1x8xf32, #tpu.memory_space<vmem>>, vector<1x8xf32>,
      %broadcast_in_dim3A_454 = arith.constant 0.000000e+00 : f32
      %broadcast_in_dim3A_455 = vector.broadcast %broadcast_in_dim3A_454 : f32 to vector<1x8xf32>
      %swap3A_456 = arith.constant 0 : index
      %swap3A_457 = arith.constant 0 : index
      %swap3A_458 = vector.load %arg11[%swap3A_456, %swap3A_457] : memref<1x8xf32, #tpu.memory_space<vmem>>, vector<1x8xf32>
      tpu.vector_store %arg11[%swap3A_456, %swap3A_457], %broadcast_in_dim3A_455 {strides = array<i32>} : memref<1x8xf32, #tpu.memory_space<vmem>>, vector<1x8xf32>,
    } else {
    }
    %get3A_435 = arith.constant 0 : index
    %get3A_436 = arith.constant 0 : index
    %get3A_437 = vector.load %arg10[%get3A_435, %get3A_436] : memref<1x8xf32, #tpu.memory_space<vmem>>, vector<1x8xf32>
    %add3A_438 = arith.addf %get3A_437, %add3A_426 : vector<1x8xf32>
    %swap3A_439 = arith.constant 0 : index
    %swap3A_440 = arith.constant 0 : index
    %swap3A_441 = vector.load %arg10[%swap3A_439, %swap3A_440] : memref<1x8xf32, #tpu.memory_space<vmem>>, vector<1x8xf32>
    tpu.vector_store %arg10[%swap3A_439, %swap3A_440], %add3A_438 {strides = array<i32>} : memref<1x8xf32, #tpu.memory_space<vmem>>, vector<1x8xf32>,
    %get3A_442 = arith.constant 0 : index
    %get3A_443 = arith.constant 0 : index
    %get3A_444 = vector.load %arg11[%get3A_442, %get3A_443] : memref<1x8xf32, #tpu.memory_space<vmem>>, vector<1x8xf32>
    %add3A_445 = arith.addf %get3A_444, %add3A_430 : vector<1x8xf32>
    %swap3A_446 = arith.constant 0 : index
    %swap3A_447 = arith.constant 0 : index
    %swap3A_448 = vector.load %arg11[%swap3A_446, %swap3A_447] : memref<1x8xf32, #tpu.memory_space<vmem>>, vector<1x8xf32>
    tpu.vector_store %arg11[%swap3A_446, %swap3A_447], %add3A_445 {strides = array<i32>} : memref<1x8xf32, #tpu.memory_space<vmem>>, vector<1x8xf32>,
    return
  }
  func.func @transform_0(%arg0: i32) -> (i32, i32, i32) {
    %c0_i32 = arith.constant 0 : i32
    %c0_i32_0 = arith.constant 0 : i32
    %c0_i32_1 = arith.constant 0 : i32
    return %arg0, %c0_i32, %c0_i32_0 : i32, i32, i32
  }
  func.func @transform_1(%arg0: i32) -> (i32, i32) {
    %c0_i32 = arith.constant 0 : i32
    %c0_i32_0 = arith.constant 0 : i32
    %c0_i32_1 = arith.constant 0 : i32
    return %c0_i32, %c0_i32_0 : i32, i32
  }
  func.func @transform_2(%arg0: i32) -> (i32, i32) {
    %c0_i32 = arith.constant 0 : i32
    %c0_i32_0 = arith.constant 0 : i32
    %c0_i32_1 = arith.constant 0 : i32
    return %c0_i32, %c0_i32_0 : i32, i32
  }
  func.func @transform_3(%arg0: i32) -> (i32, i32, i32) {
    %c0_i32 = arith.constant 0 : i32
    %c0_i32_0 = arith.constant 0 : i32
    %c0_i32_1 = arith.constant 0 : i32
    %c0_i32_2 = arith.constant 0 : i32
    return %c0_i32, %c0_i32_0, %c0_i32_1 : i32, i32, i32
  }
  func.func @transform_4(%arg0: i32) -> (i32, i32, i32) {
    %c0_i32 = arith.constant 0 : i32
    %c0_i32_0 = arith.constant 0 : i32
    %c0_i32_1 = arith.constant 0 : i32
    %c0_i32_2 = arith.constant 0 : i32
    return %c0_i32, %c0_i32_0, %c0_i32_1 : i32, i32, i32
  }
  func.func @transform_5(%arg0: i32) -> (i32, i32, i32) {
    %c0_i32 = arith.constant 0 : i32
    %c0_i32_0 = arith.constant 0 : i32
    %c0_i32_1 = arith.constant 0 : i32
    %c0_i32_2 = arith.constant 0 : i32
    return %c0_i32, %c0_i32_0, %c0_i32_1 : i32, i32, i32
  }
  func.func @transform_6(%arg0: i32) -> (i32, i32, i32) {
    %c0_i32 = arith.constant 0 : i32
    %c0_i32_0 = arith.constant 0 : i32
    %c0_i32_1 = arith.constant 0 : i32
    %c0_i32_2 = arith.constant 0 : i32
    return %c0_i32, %c0_i32_0, %c0_i32_1 : i32, i32, i32
  }
  func.func @transform_7(%arg0: i32) -> (i32, i32, i32) {
    %c0_i32 = arith.constant 0 : i32
    %c0_i32_0 = arith.constant 0 : i32
    %c0_i32_1 = arith.constant 0 : i32
    return %arg0, %c0_i32, %c0_i32_0 : i32, i32, i32
  }
  func.func @transform_8(%arg0: i32) -> (i32, i32, i32) {
    %c0_i32 = arith.constant 0 : i32
    %c0_i32_0 = arith.constant 0 : i32
    %c0_i32_1 = arith.constant 0 : i32
    return %arg0, %c0_i32, %c0_i32_0 : i32, i32, i32
  }
  func.func @transform_9(%arg0: i32) -> (i32, i32) {
    %c0_i32 = arith.constant 0 : i32
    %c0_i32_0 = arith.constant 0 : i32
    %c0_i32_1 = arith.constant 0 : i32
    return %c0_i32, %c0_i32_0 : i32, i32
  }
  func.func @transform_10(%arg0: i32) -> (i32, i32) {
    %c0_i32 = arith.constant 0 : i32
    %c0_i32_0 = arith.constant 0 : i32
    %c0_i32_1 = arith.constant 0 : i32
    return %c0_i32, %c0_i32_0 : i32, i32
  }
}

</mosaic_0001>

<sc_bundles>
// kernel: kernel.4.cloned.1.call-start
scs
__scs_entry_jumppad:
0x0: {  	(pc) =	sbr.rel $0x88, $3  }
0x1: {  	(tag) =	ssettag $0x0;
	lr =	simm.s32 $0x1  }
0x2: {  	[smem:$0x3F9A] =	sst lr;
	_ =	strace $0xD0000000  }
0x3: {  	_ = 	snop  }
0x4: {  	_ = 	snop  }
0x5: {  	_ = 	snop  }
0x6: {  	_ = 	snop  }
0x7: {  	_ = 	snop  }
__scs_overlays_trampoline_lowered:
0x8: {  	[smem:$0x3FA9] =	sst s0  }
0x9: {  	[smem:$0x3FAA] =	sst s1  }
0xa: {  	[smem:$0x3FAB] =	sst s2  }
0xb: {  	[smem:$0x3FAC] =	sst s3  }
0xc: {  	[smem:$0x3FAD] =	sst s4  }
0xd: {  	[smem:$0x3FAE] =	sst s5  }
0xe: {  	[smem:$0x3FAF] =	sst s6  }
0xf: {  	[smem:$0x3FB0] =	sst s7  }
0x10: {  	[smem:$0x3FB1] =	sst s8  }
0x11: {  	[smem:$0x3FB2] =	sst s9;
	s0 =	simm.s32 @!p0 $0x0  }
0x12: {  	s1 =	sld [smem:$0x3F98];
	s0 =	simm.s32 @p0 $0x1  }
0x13: {  	[smem:$0x3FB3] =	sst s0;
	s0 =	simm.s32 @!p1 $0x0  }
0x14: {  	s2 =	sld [smem:$0x3F97];
	s0 =	simm.s32 @p1 $0x1  }
0x15: {  	[smem:$0x3FB4] =	sst s0;
	s0 =	simm.s32 @!p2 $0x0  }
0x16: {  	s3 =	sld [smem:$0x3FDB];
	s0 =	simm.s32 @p2 $0x1  }
0x17: {  	s4 =	simm.s32 $0x1BF5;
	[smem:$0x3FB6] =	sst s0  }
0x18: {  	s0 =	sld [smem:$0x3F99];
	_ =	swait.ge [sflag:s4], $0x0  }
0x19: {  	s7 =	sld [smem:$0x3F9A]  }
0x1a: {  	s8 =	sadd.s32 $0xFFFFE003, lr  }
0x1b: {  	s9 =	sadd.s32 $0xFFFFFEF7, lr;
	s5 =	simm.s32 $0xFFFFFFFF;
	p2 =	slt.u32 s8, $0xFFFFF086  }
0x1c: {  	p1 =	slt.u32 s9, $0xF7A;
	s5 =	simm.s32 @!p2 $0x0  }
0x1d: {  	s5 =	simm.s32 @p1 $0x1;
	p0 =	seq.s32 s7, s2  }
0x1e: {  	s7 =	smul.u32 @!p0 $0xF7A, s2;
	p2 =	seq.s32 @!p0 s5, $0x0  }
0x1f: {  	s9 =	smul.u32 $0xF7A, s1;
	s8 =	simm.s32 @!p0 $0x1BF5;
	p2 =	por !p2, p0  }
0x20: {  	[sflag:s8] =	ssyncset.s32 @!p0 $0xFFFFF086;
	s6 =	sadd.s32 @!p0 s3, s7;
	s7 =	simm.s32 @!p0 $0x108  }
0x21: {  	s3 =	sadd.s32 s3, s9;
	s6 =	sadd.s32 @!p0 $0x88, s6;
	s7 =	simm.s32 @p2 $0x1082  }
0x22: {  	[simem:s7], [sflag:s8] =	dma.local @!p0 [hbm:s6], $0xF7A  }
0x23: {  	s9 =	sor.u32 $0xD0000000, s2;
	s6 =	simm.s32 $0x108;
	_ =	swait.ge @!p0 [sflag:s8], $0x0  }
0x24: {  	s3 =	sadd.s32 $0x88, s3;
	s6 =	simm.s32 @!p1 $0x1082;
	[sflag:s4] =	ssyncset.s32 $0xFFFFF086  }
0x25: {  	[simem:s6], [sflag:s4] =	dma.local [hbm:s3], $0xF7A  }
0x26: {  	[smem:$0x3F9A] =	sst s1;
	(tag) =	ssettag s2;
	_ =	strace s9  }
0x27: {  	s1 =	sld [smem:$0x3FAA]  }
0x28: {  	s2 =	sld [smem:$0x3FAB]  }
0x29: {  	s4 =	sld [smem:$0x3FAD]  }
0x2a: {  	p0 =	seq.s32 s5, $0x0;
	s5 =	sld [smem:$0x3FAE]  }
0x2b: {  	s6 =	sld [smem:$0x3FAF]  }
0x2c: {  	s7 =	sld [smem:$0x3FB0]  }
0x2d: {  	s3 =	simm.s32 $0x108;
	s8 =	sld [smem:$0x3FB1]  }
0x2e: {  	s3 =	simm.s32 @!p0 $0x1082;
	s9 =	sld [smem:$0x3FB2]  }
0x2f: {  	lr =	sadd.s32 s0, s3;
	s0 =	sld [smem:$0x3FA9]  }
0x30: {  	s3 =	sld [smem:$0x3FAC]  }
0x31: {  	[smem:$0x3FB5] =	sst s10  }
0x32: {  	s10 =	sld [smem:$0x3FB3];
	_ =	sdelay $0x3  }
0x33: {  	p0 =	seq.s32 s10, $0x1;
	s10 =	sld [smem:$0x3FB5];
	_ =	sdelay $0x3  }
0x34: {  	[smem:$0x3FB5] =	sst s10  }
0x35: {  	s10 =	sld [smem:$0x3FB4];
	_ =	sdelay $0x3  }
0x36: {  	p1 =	seq.s32 s10, $0x1;
	s10 =	sld [smem:$0x3FB5];
	_ =	sdelay $0x3  }
0x37: {  	[smem:$0x3FB5] =	sst s10  }
0x38: {  	s10 =	sld [smem:$0x3FB6]  }
0x39: {  	_ = 	snop;
	(pc) =	sbr.ind lr, $3  }
0x3a: {  	_ = 	snop  }
0x3b: {  	_ = 	snop  }
0x3c: {  	p2 =	seq.s32 s10, $0x1;
	s10 =	sld [smem:$0x3FB5]  }
0x3d: {  	_ =	shalt  }
0x3e: {  	_ =	shalt  }
0x3f: {  	_ =	shalt  }
0x40: {  	_ =	shalt  }
0x41: {  	_ =	shalt  }
0x42: {  	_ =	shalt  }
0x43: {  	_ =	shalt  }
0x44: {  	_ =	shalt  }
0x45: {  	_ =	shalt  }
0x46: {  	_ =	shalt  }
0x47: {  	_ =	shalt  }
0x48: {  	_ =	shalt  }
0x49: {  	_ =	shalt  }
0x4a: {  	_ =	shalt  }
0x4b: {  	_ =	shalt  }
0x4c: {  	_ =	shalt  }
0x4d: {  	_ =	shalt  }
0x4e: {  	_ =	shalt  }
0x4f: {  	_ =	shalt  }
0x50: {  	_ =	shalt  }
0x51: {  	_ =	shalt  }
0x52: {  	_ =	shalt  }
0x53: {  	_ =	shalt  }
0x54: {  	_ =	shalt  }
0x55: {  	_ =	shalt  }
0x56: {  	_ =	shalt  }
0x57: {  	_ =	shalt  }
0x58: {  	_ =	shalt  }
0x59: {  	_ =	shalt  }
0x5a: {  	_ =	shalt  }
0x5b: {  	_ =	shalt  }
0x5c: {  	_ =	shalt  }
0x5d: {  	_ =	shalt  }
0x5e: {  	_ =	shalt  }
0x5f: {  	_ =	shalt  }
0x60: {  	_ =	shalt  }
0x61: {  	_ =	shalt  }
0x62: {  	_ =	shalt  }
0x63: {  	_ =	shalt  }
0x64: {  	_ =	shalt  }
0x65: {  	_ =	shalt  }
0x66: {  	_ =	shalt  }
0x67: {  	_ =	shalt  }
0x68: {  	_ =	shalt  }
0x69: {  	_ =	shalt  }
0x6a: {  	_ =	shalt  }
0x6b: {  	_ =	shalt  }
0x6c: {  	_ =	shalt  }
0x6d: {  	_ =	shalt  }
0x6e: {  	_ =	shalt  }
0x6f: {  	_ =	shalt  }
0x70: {  	_ =	shalt  }
0x71: {  	_ =	shalt  }
0x72: {  	_ =	shalt  }
0x73: {  	_ =	shalt  }
0x74: {  	_ =	shalt  }
0x75: {  	_ =	shalt  }
0x76: {  	_ =	shalt  }
0x77: {  	_ =	shalt  }
0x78: {  	_ =	shalt  }
0x79: {  	_ =	shalt  }
0x7a: {  	_ =	shalt  }
0x7b: {  	_ =	shalt  }
0x7c: {  	_ =	shalt  }
0x7d: {  	_ =	shalt  }
0x7e: {  	_ =	shalt  }
0x7f: {  	_ =	shalt  }
0x80: {  	_ =	shalt  }
0x81: {  	_ =	shalt  }
0x82: {  	_ =	shalt  }
0x83: {  	_ =	shalt  }
0x84: {  	_ =	shalt  }
0x85: {  	_ =	shalt  }
0x86: {  	_ =	shalt  }
0x87: {  	_ =	shalt  }
.Lfunc_end0:
.L_simem_size_0:
called_computation_lowered:
.L_overlay_start_0:
0x88: {  	s2 =	sld [smem:$0x3FD9]  }
0x89: {  	s3 =	sld [smem:$0x3FFE];
	_ =	sdelay $0x1  }
0x8a: {  	s1 =	srdreg.scid  }
0x8b: {  	s0 =	sand.u32 $0x1, s1  }
0x8c: {  	s14 =	sshll.u32 s0, $0xA;
	s2 =	sadd.s32 s3, s2  }
0x8d: {  	s2 =	sadd.s32 s2, s14  }
0x8e: {  	[smem:$0x3FC1] =	sst s2  }
0x8f: {  	_ = 	snop  }
0x90: {  	s2 =	sld [smem:$0x3FD0];
	_ =	sdelay $0x2  }
0x91: {  	s15 =	simm.s32 $0xA;
	s4 =	simm.s32 $0x10  }
0x92: {  	[smem:s4], [sflag:s15] =	dma.local [hbm:s2], $0x1  }
0x93: {  	_ =	swait.eq [sflag:s15], $0x1  }
0x94: {  	[sflag:s15] =	ssyncset.done $0x0  }
0x95: {  	s16 =	sld [smem:$0x12];
	[sflag:s15] =	ssyncadd.s32 $0xFFFFFFFF  }
0x96: {  	s17 =	sld [smem:$0x13];
	(tm) =	ssettm $0x1  }
0x97: {  	s18 =	sld [smem:$0x3FFB];
	_ =	sdelay $0x3  }
0x98: {  	_ =	strace s18  }
0x99: {  	s4 =	sld [smem:$0x3FFC];
	_ =	sdelay $0x3  }
0x9a: {  	_ =	strace s4  }
0x9b: {  	s4 =	sld [smem:$0x3FFD];
	_ =	sdelay $0x3  }
0x9c: {  	_ =	strace s4  }
0x9d: {  	_ =	strace $0x8FFFFFFF  }
0x9e: {  	s19 =	sld [smem:$0x3FDB];
	_ =	sdelay $0x1  }
0x9f: {  	s5 =	simm.s32 $_scs_section_size  }
0xa0: {  	s6 =	simm.s32 $_size__tile_overlayer_lowered;
	s7 =	simm.s32 $_tile_overlayer_lowered  }
0xa1: {  	s22 =	simm.s32 $0x1BFF;
	s21 =	sshll.u32 s7, $0x1;
	s4 =	sadd.s32 s5, s19  }
0xa2: {  	s8 =	simm.s32 $0x0;
	s20 =	sshll.u32 s6, $0x1;
	s6 =	sadd.s32 s21, s4  }
0xa3: {  	[timem:s8], [sflag:s22] =	dma.local [hbm:s6], s20  }
0xa4: {  	_ =	swait.ge [sflag:s22], s20  }
0xa5: {  	s5 =	ssub.s32 $0x0, s20;
	[sflag:s22] =	ssyncset.done $0x0  }
0xa6: {  	[sflag:s22] =	ssyncadd.s32 s5;
	_ =	sdelay $0x1  }
0xa7: {  	s23 =	simm.s32 $0x1B8B  }
0xa8: {  	_ =	swait.ge [sflag:s23], $0x1  }
0xa9: {  	[sflag:s23] =	ssyncset.done $0x0  }
0xaa: {  	s25 =	simm.s32 $0x1B8E;
	s24 =	sld [smem:$0x3FFE];
	[sflag:s23] =	ssyncadd.s32 $0xFFFFFFFF  }
0xab: {  	s26 =	simm.s32 $execute0_lowered;
	[smem:$0x3FD2] =	sst s25  }
0xac: {  	s6 =	sshll.u32 s26, $0x1;
	_ =	strace $0x80000046;
	[dreg:$0x1] =	wrdreg $0xFFFFFFFF  }
0xad: {  	s28 =	simm.s32 $_size_execute0_lowered;
	s4 =	sadd.s32 s4, s6;
	[dreg:$0x0] =	wrdreg $0x0  }
0xae: {  	s6 =	sshll.u32 s28, $0x1;
	[dreg:$0x2] =	wrdreg s4  }
0xaf: {  	[dreg:$0x3] =	wrdreg s6  }
0xb0: {  	[dreg:$0x4] =	wrdreg $0xC0  }
0xb1: {  	_ =	task [dreg:s8], $0x5FFFF  }
0xb2: {  	[dreg:$0x1] =	wrdreg $0xFFFFFFFF  }
0xb3: {  	[dreg:$0x0] =	wrdreg $0x60  }
0xb4: {  	[dreg:$0x2] =	wrdreg s17  }
0xb5: {  	[dreg:$0x3] =	wrdreg s16  }
0xb6: {  	[dreg:$0x4] =	wrdreg s24  }
0xb7: {  	[dreg:$0x5] =	wrdreg $0x9  }
0xb8: {  	_ =	task.clear_ibuf [dreg:s8], $0x6FFFF;
	_ =	strace $0x90000046  }
0xb9: {  	s29 =	simm.s32 $0x9;
	_ =	strace $0x80000048  }
0xba: {  	_ =	swait.ge [sflag:s29], $0x1  }
0xbb: {  	[sflag:s29] =	ssyncadd.s32 $0xFFFFFFFF  }
0xbc: {  	_ =	strace $0x90000048  }
0xbd: {  	_ =	sfence  }
0xbe: {  	s30 =	sld [smem:$0x0];
	_ =	sdelay $0x2  }
0xbf: {  	s31 =	sshll.u32 s1, $0xD;
	s1 =	sshrl.u32 s1, $0x2  }
0xc0: {  	s3 =	sand.u32 $0x4000, s31;
	s1 =	sadd.s32 s1, s30  }
0xc1: {  	s0 =	sor.u32 s3, s0;
	s1 =	sshll.u32 s1, $0x11  }
0xc2: {  	s0 =	sor.u32 s1, s0  }
0xc3: {  	s0 =	sadd.s32 $0x8F2B, s0  }
0xc4: {  	[sflag:s0] =	ssyncadd.remote.s32 $0x1  }
0xc5: {  	_ =	sfence.sel $0xFFFF  }
0xc6: {  	[dreg:$0x0] =	wrdreg $0xFFFFFFFF;
	(pc) =	sbr.abs _section_cstart, $3  }
0xc7: {  	[dreg:$0x1] =	wrdreg $0xFFFFFFFF  }
0xc8: {  	_ =	task.clear_ibuf [dreg:s8], $0x2FFFF;
	_ =	strace $0x9FFFFFFF  }
0xc9: {  	(tm) =	ssettm $0x7FFFFFFF  }
tec
execute0_lowered:
.L_overlay_start_1:
0x0: {  	(tag) =	ssettag $0x1  }
0x1: {  	s0 =	srdreg.scid  }
0x2: {  	s5 =	sand.u32 $0x1, s0;
	s0 =	stileid.u32  }
0x3: {  	s6 =	sor.u32 s0, s5  }
0x4: {  	p0 =	sne.s32 s6, $0x0  }
.Ltmp0:
0x5: {  	_ = 	snop;
	(pc) =	sbr.rel @p0 .LBB2_3-.Ltmp0, $4  }
0x6: {  	s1 =	rddreg [dreg:$0x0]  }
0x7: {  	s3 =	rddreg [dreg:$0x1]  }
0x8: {  	s4 =	rddreg [dreg:$0x2]  }
0x9: {  	s2 =	rddreg [dreg:$0x3];
	_ =	strace $0x80000047  }
0xa: {  	s5 =	ssub.s32 $0x2, s5;
	s4 =	sadd.s32 $0x1200, s4  }
0xb: {  	s7 =	simm.s32 $0x1;
	s8 =	simm.s32 $0x200;
	s6 =	sshrl.u32 s5, $0x1  }
0xc: {  	v0 =	vimm.s32 $0x0;
	s9 =	simm.s32 $0x280;
	s5 =	ssub.s32 s5, s6;
	s6 =	simm.s32 $0x0  }
.LBB2_2:
0xd: {  	[tilespmem:s6], [sflag:$0x1] =	stream.linear.gather [hbm4b:s1+s6], $0x200, $0x38;
	[tilespmem:$0x480] =	vst v63  }
0xe: {  	_ =	swait.ge [sflag:s7], $0x200  }
0xf: {  	[sflag:s7] =	ssyncset.done $0x0  }
0x10: {  	[sflag:s7] =	ssyncadd.s32 $0xFFFFFE00  }
0x11: {  	v4 =	vld [tilespmem:$0x0]  }
0x12: {  	v6 =	vld [tilespmem:$0x40]  }
0x13: {  	v9 =	vld [tilespmem:$0x80]  }
0x14: {  	v14 =	vld [tilespmem:$0xC0]  }
0x15: {  	v16 =	vld [tilespmem:$0x100]  }
0x16: {  	v19 =	vld [tilespmem:$0x140]  }
0x17: {  	v20 =	vld [tilespmem:$0x180];
	v1 =	vmax.f32 v4, v6  }
0x18: {  	v24 =	vld [tilespmem:$0x1C0];
	v1 =	vmax.f32 v1, v9  }
0x19: {  	v1 =	vmax.f32 v1, v14  }
0x1a: {  	v1 =	vmax.f32 v1, v16  }
0x1b: {  	v1 =	vmax.f32 v1, v19  }
0x1c: {  	v1 =	vmax.f32 v1, v20  }
0x1d: {  	v13 =	vmax.f32 v1, v24  }
0x1e: {  	v1 =	vsub.f32 v4, v13;
	_ =	sdelay $0x1  }
0x1f: {  	v1 =	vmul.f32 $1.442695020e+00, v1  }
0x20: {  	v2 =	vsub.f32 v6, v13  }
0x21: {  	(erf) = vpow2.f32 v1  }
0x22: {  	v1 =	vmul.f32 $1.442695020e+00, v2;
	v2 =	vsub.f32 v9, v13;
	_ =	sdelay $0x1  }
0x23: {  	(erf) = vpow2.f32 v1;
	v1 =	vmul.f32 $1.442695020e+00, v2;
	v2 =	vsub.f32 v14, v13;
	_ =	sdelay $0x1  }
0x24: {  	(erf) = vpow2.f32 v1;
	v1 =	vmul.f32 $1.442695020e+00, v2;
	v2 =	vsub.f32 v16, v13;
	_ =	sdelay $0x1  }
0x25: {  	(erf) = vpow2.f32 v1;
	v1 =	vmul.f32 $1.442695020e+00, v2;
	v2 =	vsub.f32 v19, v13;
	_ =	sdelay $0x1  }
0x26: {  	v3 =	vpop (erf);
	(erf) = vpow2.f32 v1;
	v1 =	vmul.f32 $1.442695020e+00, v2;
	v2 =	vsub.f32 v20, v13  }
0x27: {  	v7 =	vsub.f32 v24, v13  }
0x28: {  	v3 =	vadd.f32 $0.0e+00, v3;
	(erf) = vpow2.f32 v1;
	v5 =	vmul.f32 $1.442695020e+00, v2  }
0x29: {  	v1 =	vld [tilespmem:$0x10];
	v8 =	vpop (erf)  }
0x2a: {  	v40 =	vmul.f32 $1.442695020e+00, v7;
	v2 =	vld [tilespmem:$0x50];
	v3 =	vadd.f32 v3, v8;
	(erf) = vpow2.f32 v5  }
0x2b: {  	v7 =	vld [tilespmem:$0x90];
	v41 =	vpop (erf)  }
0x2c: {  	v12 =	vld [tilespmem:$0xD0];
	v3 =	vadd.f32 v3, v41;
	(erf) = vpow2.f32 v40  }
0x2d: {  	v18 =	vld [tilespmem:$0x110];
	v42 =	vpop (erf)  }
0x2e: {  	v26 =	vld [tilespmem:$0x150];
	v3 =	vadd.f32 v3, v42  }
0x2f: {  	v31 =	vld [tilespmem:$0x190];
	v43 =	vmax.f32 v1, v2;
	v44 =	vpop (erf)  }
0x30: {  	v35 =	vld [tilespmem:$0x1D0];
	v5 =	vmax.f32 v43, v7;
	v3 =	vadd.f32 v3, v44  }
0x31: {  	v5 =	vmax.f32 v5, v12;
	v45 =	vpop (erf)  }
0x32: {  	v5 =	vmax.f32 v5, v18;
	v3 =	vadd.f32 v3, v45  }
0x33: {  	v5 =	vmax.f32 v5, v26;
	v46 =	vpop (erf)  }
0x34: {  	v5 =	vmax.f32 v5, v31;
	v3 =	vadd.f32 v3, v46  }
0x35: {  	v11 =	vmax.f32 v5, v35;
	v47 =	vpop (erf)  }
0x36: {  	v48 =	vsub.f32 v1, v11;
	v3 =	vadd.f32 v3, v47;
	_ =	sdelay $0x1  }
0x37: {  	v49 =	vmul.f32 $1.442695020e+00, v48;
	(erf) = vrcp.f32 v3;
	v3 =	vsub.f32 v2, v11;
	_ =	sdelay $0x1  }
0x38: {  	v50 =	vsub.f32 v7, v11;
	(erf) = vpow2.f32 v49;
	v3 =	vmul.f32 $1.442695020e+00, v3;
	_ =	sdelay $0x1  }
0x39: {  	v51 =	vsub.f32 v12, v11;
	(erf) = vpow2.f32 v3;
	v3 =	vmul.f32 $1.442695020e+00, v50;
	_ =	sdelay $0x1  }
0x3a: {  	v52 =	vsub.f32 v18, v11;
	(erf) = vpow2.f32 v3;
	v3 =	vmul.f32 $1.442695020e+00, v51;
	_ =	sdelay $0x1  }
0x3b: {  	v53 =	vsub.f32 v26, v11;
	(erf) = vpow2.f32 v3;
	v3 =	vmul.f32 $1.442695020e+00, v52;
	_ =	sdelay $0x1  }
0x3c: {  	v55 =	vsub.f32 v31, v11;
	v25 =	vpop (erf);
	(erf) = vpow2.f32 v3;
	v3 =	vmul.f32 $1.442695020e+00, v53  }
0x3d: {  	v15 =	vsub.f32 v35, v11;
	v54 =	vpop (erf)  }
0x3e: {  	v5 =	vld [tilespmem:$0x60];
	v10 =	vmul.f32 $1.442695020e+00, v55;
	v8 =	vadd.f32 $0.0e+00, v54;
	(erf) = vpow2.f32 v3  }
0x3f: {  	v3 =	vld [tilespmem:$0x20];
	v17 =	vpop (erf)  }
0x40: {  	v56 =	vmul.f32 $1.442695020e+00, v15;
	v15 =	vld [tilespmem:$0xA0];
	(erf) = vpow2.f32 v10;
	v8 =	vadd.f32 v8, v17  }
0x41: {  	v21 =	vld [tilespmem:$0xE0];
	v57 =	vpop (erf)  }
0x42: {  	v28 =	vld [tilespmem:$0x120];
	(erf) = vpow2.f32 v56;
	v8 =	vadd.f32 v8, v57  }
0x43: {  	v32 =	vld [tilespmem:$0x160];
	v58 =	vpop (erf)  }
0x44: {  	v33 =	vld [tilespmem:$0x1A0];
	v59 =	vmax.f32 v3, v5;
	v8 =	vadd.f32 v8, v58  }
0x45: {  	v36 =	vld [tilespmem:$0x1E0];
	v10 =	vmax.f32 v59, v15;
	v60 =	vpop (erf)  }
0x46: {  	v10 =	vmax.f32 v10, v21;
	v8 =	vadd.f32 v8, v60  }
0x47: {  	v10 =	vmax.f32 v10, v28;
	v61 =	vpop (erf)  }
0x48: {  	v10 =	vmax.f32 v10, v32;
	v8 =	vadd.f32 v8, v61  }
0x49: {  	v62 =	vpop (erf);
	v10 =	vmax.f32 v10, v33  }
0x4a: {  	v23 =	vmax.f32 v10, v36;
	v8 =	vadd.f32 v8, v62  }
0x4b: {  	v63 =	vpop (erf);
	v22 =	vsub.f32 v3, v23  }
0x4c: {  	v8 =	vadd.f32 v8, v63  }
0x4d: {  	v29 =	vsub.f32 v5, v23;
	v27 =	vmul.f32 $1.442695020e+00, v22  }
0x4e: {  	(erf) = vrcp.f32 v8  }
0x4f: {  	v30 =	vsub.f32 v15, v23;
	v8 =	vmul.f32 $1.442695020e+00, v29;
	(erf) = vpow2.f32 v27  }
0x50: {  	vm0 =	veq.f32 v24, v13;
	vm1 =	veq.f32 v20, v13  }
0x51: {  	v37 =	vsub.f32 v21, v23;
	v34 =	vmul.f32 $1.442695020e+00, v30;
	(erf) = vpow2.f32 v8  }
0x52: {  	vm7 =	veq.f32 v19, v13;
	vm8 =	veq.f32 v16, v13;
	vm9 =	veq.f32 v14, v13  }
0x53: {  	v39 =	vsub.f32 v28, v23;
	v38 =	vmul.f32 $1.442695020e+00, v37;
	(erf) = vpow2.f32 v34  }
0x54: {  	vm10 =	veq.f32 v9, v13;
	vm11 =	veq.f32 v6, v13;
	vm12 =	vne.f32 v4, v13  }
0x55: {  	v41 =	vsub.f32 v32, v23;
	v40 =	vmul.f32 $1.442695020e+00, v39;
	(erf) = vpow2.f32 v38  }
0x56: {  	vm2 =	veq.f32 v35, v11;
	v54 =	vsel vm0, $0x7, v0;
	v44 =	vsub.f32 v33, v23  }
0x57: {  	v20 =	vsel vm1, $0x6, v54;
	v43 =	vmul.f32 $1.442695020e+00, v41;
	v30 =	vpop (erf);
	(erf) = vpow2.f32 v40  }
0x58: {  	vm13 =	veq.f32 v31, v11;
	v19 =	vsel vm7, $0x5, v20;
	v22 =	vmul.f32 $1.442695020e+00, v44;
	v42 =	vpop (erf)  }
0x59: {  	v10 =	vld [tilespmem:$0x70];
	v27 =	vsub.f32 v36, v23;
	(erf) = vpow2.f32 v43;
	v17 =	vadd.f32 $0.0e+00, v42  }
0x5a: {  	vm15 =	veq.f32 v26, v11;
	vm6 =	veq.f32 v18, v11;
	v16 =	vsel vm8, $0x4, v19;
	v8 =	vld [tilespmem:$0x30];
	v29 =	vpop (erf)  }
0x5b: {  	v27 =	vmul.f32 $1.442695020e+00, v27;
	(erf) = vpow2.f32 v22;
	v29 =	vadd.f32 v17, v29;
	v17 =	vld [tilespmem:$0xB0]  }
0x5c: {  	v24 =	vsel vm2, $0x7, v0;
	vm0 =	vmand vm12, vm11;
	v16 =	vsel vm9, $0x3, v16;
	v22 =	vld [tilespmem:$0xF0];
	v34 =	vpop (erf)  }
0x5d: {  	v16 =	vsel vm10, $0x2, v16;
	(erf) = vpow2.f32 v27;
	v37 =	vadd.f32 v29, v34;
	v29 =	vld [tilespmem:$0x130]  }
0x5e: {  	vm7 =	veq.f32 v12, v11;
	vm9 =	veq.f32 v7, v11;
	v59 =	vsel vm11, $0x1, v16;
	v45 =	vpop (erf);
	v34 =	vld [tilespmem:$0x170]  }
0x5f: {  	v16 =	vsel vm13, $0x6, v24;
	v39 =	vmax.f32 v8, v10;
	v27 =	vadd.f32 v37, v45;
	v37 =	vld [tilespmem:$0x1B0]  }
0x60: {  	vm13 =	veq.f32 v2, v11;
	v4 =	vnsel vm12, $0x0, v59;
	v38 =	vld [tilespmem:$0x1F0];
	v40 =	vpop (erf);
	v39 =	vmax.f32 v39, v17  }
0x61: {  	v16 =	vsel vm15, $0x5, v16;
	v27 =	vadd.f32 v27, v40;
	v39 =	vmax.f32 v39, v22  }
0x62: {  	vm14 =	veq.s32 v4, $0x0;
	vm4 =	veq.s32 v4, $0x2;
	v46 =	vpop (erf);
	v39 =	vmax.f32 v39, v29  }
0x63: {  	vm5 =	veq.s32 v4, $0x3;
	v27 =	vadd.f32 v27, v46;
	v39 =	vmax.f32 v39, v34  }
0x64: {  	v16 =	vsel vm6, $0x4, v16;
	vm8 =	veq.s32 v4, $0x4;
	v47 =	vpop (erf);
	v39 =	vmax.f32 v39, v37  }
0x65: {  	vm10 =	veq.s32 v4, $0x5;
	v40 =	vadd.f32 v27, v47;
	v27 =	vmax.f32 v39, v38  }
0x66: {  	vm11 =	veq.s32 v4, $0x6;
	vm12 =	veq.s32 v4, $0x7;
	v48 =	vpop (erf);
	v41 =	vsub.f32 v8, v27  }
0x67: {  	v16 =	vsel vm7, $0x3, v16;
	v2 =	vnsel vm11, $0x0, v25;
	v39 =	vadd.f32 v40, v48  }
0x68: {  	v16 =	vsel vm9, $0x2, v16;
	v50 =	vsub.f32 v10, v27;
	v49 =	vmul.f32 $1.442695020e+00, v41  }
0x69: {  	vm15 =	veq.f32 v36, v23;
	vm6 =	veq.f32 v28, v23;
	(erf) = vrcp.f32 v39  }
0x6a: {  	v52 =	vsub.f32 v17, v27;
	v51 =	vmul.f32 $1.442695020e+00, v50;
	(erf) = vpow2.f32 v49  }
0x6b: {  	vm11 =	veq.f32 v15, v23;
	v44 =	vnsel vm5, $0x0, v25;
	vm5 =	veq.f32 v32, v23  }
0x6c: {  	v56 =	vsub.f32 v22, v27;
	v53 =	vmul.f32 $1.442695020e+00, v52;
	(erf) = vpow2.f32 v51  }
0x6d: {  	v43 =	vnsel vm4, $0x0, v25;
	vm4 =	veq.f32 v33, v23;
	v46 =	vnsel vm8, $0x0, v25  }
0x6e: {  	v58 =	vsub.f32 v29, v27;
	v19 =	vmul.f32 $1.442695020e+00, v56;
	(erf) = vpow2.f32 v53  }
0x6f: {  	vm8 =	veq.f32 v21, v23;
	v62 =	vsub.f32 v34, v27;
	v20 =	vsub.f32 v37, v27  }
0x70: {  	v35 =	vsub.f32 v38, v27;
	v61 =	vmul.f32 $1.442695020e+00, v58;
	(erf) = vpow2.f32 v19  }
0x71: {  	v48 =	vnsel vm10, $0x0, v25;
	v63 =	vmul.f32 $1.442695020e+00, v62;
	v31 =	vmul.f32 $1.442695020e+00, v20  }
0x72: {  	v40 =	vmul.f32 $1.442695020e+00, v35;
	v41 =	vnsel vm0, $0x0, v25;
	v14 =	vpop (erf);
	(erf) = vpow2.f32 v61  }
0x73: {  	[tilespmem:$0x200] =	vst v4;
	v50 =	vsel vm13, $0x1, v16;
	v52 =	vsel vm15, $0x7, v0;
	v39 =	vnsel vm14, $0x0, v25;
	v55 =	vpop (erf)  }
0x74: {  	[tilespmem:$0x400] =	vst v2;
	vm14 =	vne.f32 v1, v11;
	(erf) = vpow2.f32 v63;
	v9 =	vadd.f32 $0.0e+00, v55  }
0x75: {  	[tilespmem:$0x340] =	vst v44;
	vm15 =	vne.f32 v3, v23;
	v1 =	vnsel vm12, $0x0, v25;
	vm0 =	vmand vm14, vm13;
	v57 =	vpop (erf)  }
0x76: {  	[tilespmem:$0x300] =	vst v43;
	v51 =	vnsel vm14, $0x0, v50;
	(erf) = vpow2.f32 v31;
	v6 =	vadd.f32 v9, v57  }
0x77: {  	[tilespmem:$0x380] =	vst v46;
	vm14 =	veq.f32 v5, v23;
	v53 =	vsel vm4, $0x6, v52;
	vm7 =	veq.s32 v51, $0x0;
	v60 =	vpop (erf)  }
0x78: {  	[tilespmem:$0x3C0] =	vst v48;
	vm9 =	veq.s32 v51, $0x2;
	(erf) = vpow2.f32 v40;
	v6 =	vadd.f32 v6, v60  }
0x79: {  	[tilespmem:$0x2C0] =	vst v41;
	vm10 =	veq.s32 v51, $0x3;
	vm12 =	veq.s32 v51, $0x4;
	vm13 =	veq.s32 v51, $0x5;
	v42 =	vpop (erf)  }
0x7a: {  	[tilespmem:$0x280] =	vst v39;
	vm4 =	veq.s32 v51, $0x6;
	vm1 =	vmand vm15, vm14;
	v6 =	vadd.f32 v6, v42  }
0x7b: {  	[tilespmem:$0x440] =	vst v1;
	v56 =	vsel vm5, $0x5, v53;
	v2 =	vnsel vm7, $0x0, v30;
	v58 =	vnsel vm10, $0x0, v30;
	v45 =	vpop (erf)  }
0x7c: {  	[tilespmem:$0x210] =	vst v51;
	v59 =	vnsel vm13, $0x0, v30;
	v3 =	vnsel vm4, $0x0, v30;
	v6 =	vadd.f32 v6, v45  }
0x7d: {  	vm5 =	veq.s32 v51, $0x7;
	vm7 =	veq.f32 v37, v27;
	v1 =	vsel vm6, $0x4, v56;
	[tilespmem:$0x290] =	vst v2;
	v47 =	vpop (erf)  }
0x7e: {  	v2 =	vnsel vm9, $0x0, v30;
	[tilespmem:$0x350] =	vst v58;
	vm6 =	veq.f32 v38, v27;
	v6 =	vadd.f32 v6, v47  }
0x7f: {  	vm9 =	veq.f32 v34, v27;
	v1 =	vsel vm8, $0x3, v1;
	[tilespmem:$0x310] =	vst v2;
	v2 =	vnsel vm12, $0x0, v30;
	v49 =	vpop (erf)  }
0x80: {  	[tilespmem:$0x3D0] =	vst v59;
	vm12 =	veq.f32 v29, v27;
	v1 =	vsel vm11, $0x2, v1;
	v6 =	vadd.f32 v6, v49  }
0x81: {  	[tilespmem:$0x390] =	vst v2;
	v2 =	vnsel vm5, $0x0, v30;
	vm5 =	veq.f32 v17, v27;
	v1 =	vsel vm14, $0x1, v1;
	v54 =	vpop (erf)  }
0x82: {  	[tilespmem:$0x410] =	vst v3;
	v1 =	vnsel vm15, $0x0, v1;
	vm15 =	veq.f32 v22, v27;
	v55 =	vadd.f32 v6, v54  }
0x83: {  	[tilespmem:$0x450] =	vst v2;
	vm8 =	veq.s32 v1, $0x0;
	v61 =	vnsel vm1, $0x0, v14;
	vm10 =	veq.s32 v1, $0x2  }
0x84: {  	vm11 =	veq.s32 v1, $0x3;
	[tilespmem:$0x220] =	vst v1;
	v60 =	vsel vm6, $0x7, v0;
	(erf) = vrcp.f32 v55  }
0x85: {  	vm13 =	veq.s32 v1, $0x4;
	v2 =	vnsel vm8, $0x0, v14;
	[tilespmem:$0x2E0] =	vst v61;
	v3 =	vsel vm7, $0x6, v60  }
0x86: {  	vm14 =	veq.s32 v1, $0x5;
	v62 =	vnsel vm11, $0x0, v14;
	[tilespmem:$0x2A0] =	vst v2;
	v2 =	vsel vm9, $0x5, v3  }
0x87: {  	vm4 =	veq.s32 v1, $0x6;
	v63 =	vnsel vm14, $0x0, v14;
	[tilespmem:$0x360] =	vst v62;
	v2 =	vsel vm12, $0x4, v2  }
0x88: {  	[tilespmem:$0x3E0] =	vst v63;
	v57 =	vnsel vm0, $0x0, v30;
	vm6 =	veq.f32 v10, v27;
	v2 =	vsel vm15, $0x3, v2  }
0x89: {  	[tilespmem:$0x2D0] =	vst v57;
	vm7 =	veq.s32 v1, $0x7;
	v3 =	vnsel vm10, $0x0, v14;
	v2 =	vsel vm5, $0x2, v2  }
0x8a: {  	[tilespmem:$0x320] =	vst v3;
	v3 =	vnsel vm13, $0x0, v14;
	v1 =	vsel vm6, $0x1, v2;
	v2 =	vnsel vm7, $0x0, v14  }
0x8b: {  	vm8 =	vne.f32 v8, v27;
	[tilespmem:$0x3A0] =	vst v3;
	v3 =	vnsel vm4, $0x0, v14  }
0x8c: {  	vm0 =	vmand vm8, vm6;
	[tilespmem:$0x420] =	vst v3;
	v1 =	vnsel vm8, $0x0, v1  }
0x8d: {  	[tilespmem:$0x460] =	vst v2;
	vm9 =	veq.s32 v1, $0x0;
	vm10 =	veq.s32 v1, $0x2;
	vm11 =	veq.s32 v1, $0x3;
	v2 =	vpop (erf)  }
0x8e: {  	[tilespmem:$0x230] =	vst v1;
	vm12 =	veq.s32 v1, $0x4;
	vm15 =	veq.s32 v1, $0x7;
	v3 =	vnsel vm9, $0x0, v2  }
0x8f: {  	vm13 =	veq.s32 v1, $0x5;
	vm14 =	veq.s32 v1, $0x6;
	v1 =	vnsel vm15, $0x0, v2;
	[tilespmem:$0x2B0] =	vst v3  }
0x90: {  	v3 =	vnsel vm0, $0x0, v2;
	[tilespmem:$0x470] =	vst v1  }
0x91: {  	[tilespmem:$0x2F0] =	vst v3;
	v3 =	vnsel vm10, $0x0, v2  }
0x92: {  	[tilespmem:$0x330] =	vst v3;
	v3 =	vnsel vm11, $0x0, v2  }
0x93: {  	[tilespmem:$0x370] =	vst v3;
	v3 =	vnsel vm12, $0x0, v2  }
0x94: {  	[tilespmem:$0x3B0] =	vst v3;
	v3 =	vnsel vm13, $0x0, v2  }
0x95: {  	[tilespmem:$0x3F0] =	vst v3;
	v3 =	vnsel vm14, $0x0, v2  }
0x96: {  	[tilespmem:$0x430] =	vst v3  }
0x97: {  	[hbm4b:s3+s6] =	stream.linear.scatter [tilespmem:s8], [sflag:$0x1], $0x80, $0x38;
	[tilespmem:$0x480] =	vst v63  }
0x98: {  	_ =	swait.ge [sflag:s7], $0x80  }
0x99: {  	p0 =	sne.s32 s5, $0x1;
	[sflag:s7] =	ssyncset.done $0x0  }
.Ltmp1:
0x9a: {  	[sflag:s7] =	ssyncadd.s32 $0xFFFFFF80;
	(pc) =	sbr.rel @p0 .LBB2_2-.Ltmp1, $4  }
0x9b: {  	[hbm4b:s4+s6] =	stream.linear.scatter [tilespmem:s9], [sflag:$0x1], $0x200, $0x38;
	[tilespmem:$0x480] =	vst v63  }
0x9c: {  	_ =	swait.ge [sflag:s7], $0x200  }
0x9d: {  	[sflag:s7] =	ssyncset.done $0x0  }
0x9e: {  	s5 =	sadd.s32 $0xFFFFFFFF, s5;
	[sflag:s7] =	ssyncadd.s32 $0xFFFFFE00  }
.LBB2_3:
0x9f: {  	_ =	sfence.sel $0x180000  }
0xa0: {  	[bflag:$0x0] =	sbarrier.arrive $0xFFFF  }
0xa1: {  	p0 =	sne.s32 s0, $0x0;
	_ =	strace $0x90000047  }
0xa2: {  	s0 =	sadd.s32 @!p0 $0x100000, s2;
	[bflag:$0x2] =	sbarrier.arrive $0xFFFF  }
0xa3: {  	[sflag:s0] =	ssyncadd.tile.s32 @!p0 $0x1;
	_ =	shalt  }
.Lfunc_end2:
_tile_overlayer_lowered:
.L_overlay_start_2:
0xa4: {  	(tag) =	ssettag $0x2  }
0xa5: {  	s0 =	rddreg [dreg:$0x0];
	s2 =	stileid.u32  }
0xa6: {  	s1 =	rddreg [dreg:$0x1];
	p0 =	sne.s32 s2, $0x0  }
0xa7: {  	s3 =	rddreg [dreg:$0x2];
	[bflag:$0x3] =	sbarrier.arrive $0xFFFF;
	s2 =	simm.s32 @!p0 $0x1C01  }
0xa8: {  	[timem:s3], [sflag:s2] =	dma.local @!p0 [hbm:s0], s1  }
0xa9: {  	s0 =	simm.s32 @!p0 $0x1  }
0xaa: {  	_ =	swait.ge @!p0 [sflag:s0], s1  }
0xab: {  	s1 =	ssub.s32 @!p0 $0x0, s1;
	[sflag:s0] =	ssyncset.done @!p0 $0x0  }
0xac: {  	[sflag:s0] =	ssyncadd.s32 @!p0 s1  }
0xad: {  	[bflag:$0x3] =	sbarrier.arrive $0xFFFF  }
0xae: {  	_ =	shalt  }

</sc_bundles>
